<compile_context>
chip_gen: v7x
topology: tpu7x:2x2x1
jax: 0.10.2.dev20260603
libtpu: 0.0.44.dev20260713+nightly
codegen_flags: <defaults>
</compile_context>

<pallas_src>
import functools

import jax
import jax.numpy as jnp
from jax import lax
from jax.experimental import pallas as pl
from jax.experimental.pallas import tpu as pltpu
from jax.experimental.pallas import tpu_sc as plsc

EMBED = 64
ROW_BLK = 32


def _select_norm_body(g_ref, tok_ref, out_ref):
    g = g_ref[...]
    i = lax.broadcasted_iota(jnp.int32, (2 * EMBED, 2 * EMBED), 0)
    j = lax.broadcasted_iota(jnp.int32, (2 * EMBED, 2 * EMBED), 1)
    blk = jnp.where((i < EMBED) == (j < EMBED), 1.0, 0.0)
    g2 = g * g
    s = jnp.stack(
        [lax.dot_general(g2[k], blk, (((1,), (0,)), ((), ())),
                         preferred_element_type=jnp.float32)
         for k in range(g.shape[0])], axis=0)
    y = g / (jnp.sqrt(s) + 1e-8)
    par = (tok_ref[...] & 1)[:, :, None]
    rot = jnp.concatenate([y[:, :, EMBED:], y[:, :, :EMBED]], axis=2)
    out_ref[...] = jnp.where(par == 1, rot, y)[:, :, :EMBED]


def _select_norm(gathered, tokens):
    nb, nt = tokens.shape
    grid = nb // ROW_BLK
    return pl.pallas_call(
        _select_norm_body,
        grid=(grid,),
        in_specs=[
            pl.BlockSpec((ROW_BLK, nt, 2 * EMBED), lambda i: (i, 0, 0)),
            pl.BlockSpec((ROW_BLK, nt), lambda i: (i, 0)),
        ],
        out_specs=pl.BlockSpec((ROW_BLK, nt, EMBED), lambda i: (i, 0, 0)),
        out_shape=jax.ShapeDtypeStruct((nb, nt, EMBED), jnp.float32),
        compiler_params=pltpu.CompilerParams(
            dimension_semantics=("arbitrary",)),
    )(gathered, tokens)


@functools.cache
def _build_gather(nb, nt):
    info = plsc.get_sparse_core_info()
    nc, ns = info.num_cores, info.num_subcores
    nw = nc * ns
    rows_w = nb // nw
    n1 = 128
    n2 = nt - n1

    mesh = plsc.VectorSubcoreMesh(core_axis_name="c", subcore_axis_name="s")

    @functools.partial(
        pl.kernel,
        mesh=mesh,
        compiler_params=pltpu.CompilerParams(
            needs_layout_passes=False, use_tc_tiling_on_sc=True),
        out_type=jax.ShapeDtypeStruct((nb, nt, 2 * EMBED), jnp.float32),
        scratch_types=[
            pltpu.VMEM((2, nt), jnp.int32),
            pltpu.VMEM((2, nt, 2 * EMBED), jnp.float32),
            pltpu.SemaphoreType.DMA,
            pltpu.SemaphoreType.DMA,
            pltpu.SemaphoreType.DMA,
        ],
    )
    def sc_fn(m2_hbm, tok_hbm, out_hbm, idx2_v, rows2_v, sem_i, sem_g,
              sem_w):
        wid = lax.axis_index("s") * nc + lax.axis_index("c")
        base = wid * rows_w

        pltpu.async_copy(tok_hbm.at[base], idx2_v.at[0], sem_i)

        def row_body(t, carry):
            p = t & 1
            pltpu.make_async_copy(
                tok_hbm.at[base], idx2_v.at[p], sem_i).wait()
            tn = jnp.minimum(t + 1, rows_w - 1)
            pltpu.async_copy(
                tok_hbm.at[base + tn], idx2_v.at[1 - p], sem_i)
            @pl.when(t >= 2)
            def _():
                pltpu.make_async_copy(
                    rows2_v.at[p], out_hbm.at[base], sem_w).wait()
            h1 = pltpu.async_copy(
                m2_hbm.at[idx2_v.at[p, pl.ds(0, n1)]],
                rows2_v.at[p, pl.ds(0, n1)], sem_g)
            h2 = pltpu.async_copy(
                m2_hbm.at[idx2_v.at[p, pl.ds(n1, n2)]],
                rows2_v.at[p, pl.ds(n1, n2)], sem_g)
            h1.wait()
            h2.wait()
            pltpu.async_copy(rows2_v.at[p], out_hbm.at[base + t], sem_w)
            return carry

        lax.fori_loop(0, rows_w, row_body, 0)

        pltpu.make_async_copy(rows2_v.at[0], out_hbm.at[base], sem_w).wait()
        pltpu.make_async_copy(rows2_v.at[1], out_hbm.at[base], sem_w).wait()
        pltpu.make_async_copy(
            tok_hbm.at[base], idx2_v.at[0], sem_i).wait()

    return sc_fn


def kernel(matrix, tokens):
    nb, nt = tokens.shape
    vocab = matrix.shape[0]
    tok = tokens.astype(jnp.int32)
    packed = matrix.reshape(vocab // 2, 2 * EMBED)
    gathered = _build_gather(nb, nt)(packed, tok >> 1)
    return _select_norm(gathered, tok)

# --- scband reference (transcript-rebuilt; emitter-appended) ---
"""Pipeline reference for scband-embedding-matrix-41360535061196 (READ-ONLY COPY).

The authoritative reference and input builder live on the scoring server;
editing this copy changes nothing except your own understanding.
"""

import jax, jax.numpy as jnp
import numpy as np

VOCAB_SIZE = 1000000
EMBED_DIM = 64


def setup_inputs(seed: int = 0) -> dict:
    key = jax.random.key(seed)
    k_mat, k_tok = jax.random.split(key)
    matrix = jax.random.normal(k_mat, (VOCAB_SIZE, EMBED_DIM), dtype=jnp.float32)
    # replicate torch init: per-row normalization with clamp_min(1e-8)
    init_norm = jnp.linalg.norm(matrix, axis=1, keepdims=True)
    matrix = matrix / jnp.maximum(init_norm, 1e-8)
    tokens = jax.random.randint(k_tok, (4096, 200), 0, VOCAB_SIZE, dtype=jnp.int64 if jax.config.jax_enable_x64 else jnp.int32)
    return {"matrix": matrix, "tokens": tokens}


def reference(matrix, tokens):
    # forward: normalize every row of the embedding matrix, then gather
    norm = jnp.linalg.norm(matrix, axis=1, keepdims=True)
    normalized = matrix / (norm + 1e-08)
    return jnp.take(normalized, tokens, axis=0)

if __name__ == "__main__":
    import jax
    _d = setup_inputs()
    print(jax.jit(kernel)(*tuple(_d.values())))

</pallas_src>

<mosaic_0001>
#map = affine_map<(d0, d1) -> (0, 0)>
#map1 = affine_map<(d0, d1) -> (0, 0, 0)>
module attributes {stable_mosaic.version = 14 : i64} {
  func.func @sc_fn(%arg0: i32, %arg1: i32, %arg2: memref<500000x128xf32, #tpu.memory_space<hbm>>, %arg3: memref<4096x200xi32, #tpu.memory_space<hbm>>, %arg4: memref<4096x200x128xf32, #tpu.memory_space<hbm>>, %arg5: memref<2x200xi32, #tpu.memory_space<vmem>>, %arg6: memref<2x200x128xf32, #tpu.memory_space<vmem>>, %arg7: memref<!tpu.dma_semaphore, #tpu.memory_space<semaphore_mem>>, %arg8: memref<!tpu.dma_semaphore, #tpu.memory_space<semaphore_mem>>, %arg9: memref<!tpu.dma_semaphore, #tpu.memory_space<semaphore_mem>>) attributes {dimension_semantics = [#tpu.dimension_semantics<core_parallel>, #tpu.dimension_semantics<subcore_parallel>], iteration_bounds = array<i64: 2, 16>, scalar_prefetch = 0 : i64, scratch_operands = 5 : i64, tpu.core_type = #tpu.core_type<sc_vector_subcore>, window_params = [{transform_indices = #map}, {transform_indices = #map}, {transform_indices = #map1}]} {
    %mul3A = arith.constant 2 : i32
    %mul3A_0 = arith.muli %arg1, %mul3A : i32
    %add3A = arith.addi %mul3A_0, %arg0 : i32
    %mul3A_1 = arith.constant 128 : i32
    %mul3A_2 = arith.muli %add3A, %mul3A_1 : i32
    %dma_start3A = arith.constant 0 : i32
    %dma_start3A_3 = arith.constant 0 : i32
    %dma_start3A_4 = tpu.memref_slice %arg5[%dma_start3A, %dma_start3A_3] : memref<2x200xi32, #tpu.memory_space<vmem>> -> memref<1x200xi32, #tpu.memory_space<vmem>>
    %dma_start3A_5 = tpu.memref_squeeze %dma_start3A_4 : memref<1x200xi32, #tpu.memory_space<vmem>> -> memref<200xi32, #tpu.memory_space<vmem>>
    %dma_start3A_6 = arith.constant 0 : i32
    %dma_start3A_7 = tpu.memref_slice %arg3[%mul3A_2, %dma_start3A_6] : memref<4096x200xi32, #tpu.memory_space<hbm>> -> memref<1x200xi32, #tpu.memory_space<hbm>>
    %dma_start3A_8 = tpu.memref_squeeze %dma_start3A_7 : memref<1x200xi32, #tpu.memory_space<hbm>> -> memref<200xi32, #tpu.memory_space<hbm>>
    %dma_start3A_9 = arith.constant 0 : i32
    %dma_start3A_10 = tpu.memref_slice %arg5[%dma_start3A, %dma_start3A_9] : memref<2x200xi32, #tpu.memory_space<vmem>> -> memref<1x200xi32, #tpu.memory_space<vmem>>
    %dma_start3A_11 = tpu.memref_squeeze %dma_start3A_10 : memref<1x200xi32, #tpu.memory_space<vmem>> -> memref<200xi32, #tpu.memory_space<vmem>>
    %dma_start3A_12 = arith.constant 0 : i32
    %dma_start3A_13 = tpu.memref_slice %arg3[%mul3A_2, %dma_start3A_12] : memref<4096x200xi32, #tpu.memory_space<hbm>> -> memref<1x200xi32, #tpu.memory_space<hbm>>
    %dma_start3A_14 = tpu.memref_squeeze %dma_start3A_13 : memref<1x200xi32, #tpu.memory_space<hbm>> -> memref<200xi32, #tpu.memory_space<hbm>>
    tpu.enqueue_dma source(%dma_start3A_14 : memref<200xi32, #tpu.memory_space<hbm>>) target(%dma_start3A_11 : memref<200xi32, #tpu.memory_space<vmem>>) target_semaphore(%arg7 : memref<!tpu.dma_semaphore, #tpu.memory_space<semaphore_mem>>)
    %scan3A = arith.constant 0 : i32
    %scan3A_15 = arith.constant 0 : i32
    %scan3A_16 = arith.constant 128 : i32
    %scan3A_17 = arith.addi %scan3A_15, %scan3A_16 : i32
    %scan3A_18 = arith.constant 1 : i32
    scf.for %scan3A_66 = %scan3A_15 to %scan3A_17 step %scan3A_18  : i32 {
      %and3A = arith.constant 1 : i32
      %and3A_67 = arith.andi %scan3A_66, %and3A : i32
      %dma_wait3A_68 = arith.constant 0 : i32
      %dma_wait3A_69 = tpu.memref_slice %arg5[%and3A_67, %dma_wait3A_68] : memref<2x200xi32, #tpu.memory_space<vmem>> -> memref<1x200xi32, #tpu.memory_space<vmem>>
      %dma_wait3A_70 = tpu.memref_squeeze %dma_wait3A_69 : memref<1x200xi32, #tpu.memory_space<vmem>> -> memref<200xi32, #tpu.memory_space<vmem>>
      %dma_wait3A_71 = arith.constant 0 : i32
      %dma_wait3A_72 = tpu.memref_slice %arg3[%mul3A_2, %dma_wait3A_71] : memref<4096x200xi32, #tpu.memory_space<hbm>> -> memref<1x200xi32, #tpu.memory_space<hbm>>
      %dma_wait3A_73 = tpu.memref_squeeze %dma_wait3A_72 : memref<1x200xi32, #tpu.memory_space<hbm>> -> memref<200xi32, #tpu.memory_space<hbm>>
      %dma_wait3A_74 = arith.constant 0 : i32
      %dma_wait3A_75 = tpu.memref_slice %arg5[%and3A_67, %dma_wait3A_74] : memref<2x200xi32, #tpu.memory_space<vmem>> -> memref<1x200xi32, #tpu.memory_space<vmem>>
      %dma_wait3A_76 = tpu.memref_squeeze %dma_wait3A_75 : memref<1x200xi32, #tpu.memory_space<vmem>> -> memref<200xi32, #tpu.memory_space<vmem>>
      %dma_wait3A_77 = arith.constant 0 : i32
      %dma_wait3A_78 = tpu.memref_slice %arg3[%mul3A_2, %dma_wait3A_77] : memref<4096x200xi32, #tpu.memory_space<hbm>> -> memref<1x200xi32, #tpu.memory_space<hbm>>
      %dma_wait3A_79 = tpu.memref_squeeze %dma_wait3A_78 : memref<1x200xi32, #tpu.memory_space<hbm>> -> memref<200xi32, #tpu.memory_space<hbm>>
      tpu.wait_dma2 semaphore(%arg7 : memref<!tpu.dma_semaphore, #tpu.memory_space<semaphore_mem>>) src(%dma_wait3A_79 : memref<200xi32, #tpu.memory_space<hbm>>) dst(%dma_wait3A_76 : memref<200xi32, #tpu.memory_space<vmem>>)
      %add3A_80 = arith.constant 1 : i32
      %add3A_81 = arith.addi %scan3A_66, %add3A_80 : i32
      %min3A = arith.constant 127 : i32
      %min3A_82 = arith.minsi %add3A_81, %min3A : i32
      %add3A_83 = arith.addi %mul3A_2, %min3A_82 : i32
      %sub3A = arith.constant 1 : i32
      %sub3A_84 = arith.subi %sub3A, %and3A_67 : i32
      %dma_start3A_85 = arith.constant 0 : i32
      %dma_start3A_86 = tpu.memref_slice %arg5[%sub3A_84, %dma_start3A_85] : memref<2x200xi32, #tpu.memory_space<vmem>> -> memref<1x200xi32, #tpu.memory_space<vmem>>
      %dma_start3A_87 = tpu.memref_squeeze %dma_start3A_86 : memref<1x200xi32, #tpu.memory_space<vmem>> -> memref<200xi32, #tpu.memory_space<vmem>>
      %dma_start3A_88 = arith.constant 0 : i32
      %dma_start3A_89 = tpu.memref_slice %arg3[%add3A_83, %dma_start3A_88] : memref<4096x200xi32, #tpu.memory_space<hbm>> -> memref<1x200xi32, #tpu.memory_space<hbm>>
      %dma_start3A_90 = tpu.memref_squeeze %dma_start3A_89 : memref<1x200xi32, #tpu.memory_space<hbm>> -> memref<200xi32, #tpu.memory_space<hbm>>
      %dma_start3A_91 = arith.constant 0 : i32
      %dma_start3A_92 = tpu.memref_slice %arg5[%sub3A_84, %dma_start3A_91] : memref<2x200xi32, #tpu.memory_space<vmem>> -> memref<1x200xi32, #tpu.memory_space<vmem>>
      %dma_start3A_93 = tpu.memref_squeeze %dma_start3A_92 : memref<1x200xi32, #tpu.memory_space<vmem>> -> memref<200xi32, #tpu.memory_space<vmem>>
      %dma_start3A_94 = arith.constant 0 : i32
      %dma_start3A_95 = tpu.memref_slice %arg3[%add3A_83, %dma_start3A_94] : memref<4096x200xi32, #tpu.memory_space<hbm>> -> memref<1x200xi32, #tpu.memory_space<hbm>>
      %dma_start3A_96 = tpu.memref_squeeze %dma_start3A_95 : memref<1x200xi32, #tpu.memory_space<hbm>> -> memref<200xi32, #tpu.memory_space<hbm>>
      tpu.enqueue_dma source(%dma_start3A_96 : memref<200xi32, #tpu.memory_space<hbm>>) target(%dma_start3A_93 : memref<200xi32, #tpu.memory_space<vmem>>) target_semaphore(%arg7 : memref<!tpu.dma_semaphore, #tpu.memory_space<semaphore_mem>>)
      %ge3A = arith.constant 2 : i32
      %ge3A_97 = arith.cmpi sge, %scan3A_66, %ge3A : i32
      %convert_element_type3A = arith.extui %ge3A_97 : i1 to i32
      %cond3A = arith.constant 0 : i32
      %cond3A_98 = arith.cmpi ne, %convert_element_type3A, %cond3A : i32
      scf.if %cond3A_98 {
        %dma_wait3A_156 = arith.constant 0 : i32
        %dma_wait3A_157 = arith.constant 0 : i32
        %dma_wait3A_158 = tpu.memref_slice %arg6[%and3A_67, %dma_wait3A_156, %dma_wait3A_157] : memref<2x200x128xf32, #tpu.memory_space<vmem>> -> memref<1x200x128xf32, #tpu.memory_space<vmem>>
        %dma_wait3A_159 = tpu.memref_squeeze %dma_wait3A_158 : memref<1x200x128xf32, #tpu.memory_space<vmem>> -> memref<200x128xf32, #tpu.memory_space<vmem>>
        %dma_wait3A_160 = arith.constant 0 : i32
        %dma_wait3A_161 = arith.constant 0 : i32
        %dma_wait3A_162 = tpu.memref_slice %arg4[%mul3A_2, %dma_wait3A_160, %dma_wait3A_161] : memref<4096x200x128xf32, #tpu.memory_space<hbm>> -> memref<1x200x128xf32, #tpu.memory_space<hbm>>
        %dma_wait3A_163 = tpu.memref_squeeze %dma_wait3A_162 : memref<1x200x128xf32, #tpu.memory_space<hbm>> -> memref<200x128xf32, #tpu.memory_space<hbm>>
        %dma_wait3A_164 = arith.constant 0 : i32
        %dma_wait3A_165 = arith.constant 0 : i32
        %dma_wait3A_166 = tpu.memref_slice %arg4[%mul3A_2, %dma_wait3A_164, %dma_wait3A_165] : memref<4096x200x128xf32, #tpu.memory_space<hbm>> -> memref<1x200x128xf32, #tpu.memory_space<hbm>>
        %dma_wait3A_167 = tpu.memref_squeeze %dma_wait3A_166 : memref<1x200x128xf32, #tpu.memory_space<hbm>> -> memref<200x128xf32, #tpu.memory_space<hbm>>
        %dma_wait3A_168 = arith.constant 0 : i32
        %dma_wait3A_169 = arith.constant 0 : i32
        %dma_wait3A_170 = tpu.memref_slice %arg6[%and3A_67, %dma_wait3A_168, %dma_wait3A_169] : memref<2x200x128xf32, #tpu.memory_space<vmem>> -> memref<1x200x128xf32, #tpu.memory_space<vmem>>
        %dma_wait3A_171 = tpu.memref_squeeze %dma_wait3A_170 : memref<1x200x128xf32, #tpu.memory_space<vmem>> -> memref<200x128xf32, #tpu.memory_space<vmem>>
        tpu.wait_dma2 semaphore(%arg9 : memref<!tpu.dma_semaphore, #tpu.memory_space<semaphore_mem>>) src(%dma_wait3A_171 : memref<200x128xf32, #tpu.memory_space<vmem>>) dst(%dma_wait3A_167 : memref<200x128xf32, #tpu.memory_space<hbm>>)
      } else {
      }
      %dma_start3A_99 = arith.constant 0 : i32
      %dma_start3A_100 = arith.constant 0 : i32
      %dma_start3A_101 = tpu.memref_slice %arg6[%and3A_67, %dma_start3A_99, %dma_start3A_100] : memref<2x200x128xf32, #tpu.memory_space<vmem>> -> memref<1x128x128xf32, #tpu.memory_space<vmem>>
      %dma_start3A_102 = tpu.memref_squeeze %dma_start3A_101 : memref<1x128x128xf32, #tpu.memory_space<vmem>> -> memref<128x128xf32, #tpu.memory_space<vmem>>
      %dma_start3A_103 = arith.constant 0 : i32
      %dma_start3A_104 = tpu.memref_slice %arg5[%and3A_67, %dma_start3A_103] : memref<2x200xi32, #tpu.memory_space<vmem>> -> memref<1x128xi32, #tpu.memory_space<vmem>>
      %dma_start3A_105 = tpu.memref_squeeze %dma_start3A_104 : memref<1x128xi32, #tpu.memory_space<vmem>> -> memref<128xi32, #tpu.memory_space<vmem>>
      %dma_start3A_106 = arith.constant 0 : i32
      %dma_start3A_107 = arith.constant 0 : i32
      %dma_start3A_108 = tpu.memref_slice %arg2[%dma_start3A_106, %dma_start3A_107] : memref<500000x128xf32, #tpu.memory_space<hbm>> -> memref<500000x128xf32, #tpu.memory_space<hbm>>
      tpu.enqueue_indirect_dma source(%dma_start3A_108 : memref<500000x128xf32, #tpu.memory_space<hbm>>) target(%dma_start3A_102 : memref<128x128xf32, #tpu.memory_space<vmem>>) offsets(%dma_start3A_105 : memref<128xi32, #tpu.memory_space<vmem>>) semaphore(%arg8 : memref<!tpu.dma_semaphore, #tpu.memory_space<semaphore_mem>>)
      %dma_start3A_109 = arith.constant 128 : i32
      %dma_start3A_110 = arith.constant 0 : i32
      %dma_start3A_111 = tpu.memref_slice %arg6[%and3A_67, %dma_start3A_109, %dma_start3A_110] : memref<2x200x128xf32, #tpu.memory_space<vmem>> -> memref<1x72x128xf32, #tpu.memory_space<vmem>>
      %dma_start3A_112 = tpu.memref_squeeze %dma_start3A_111 : memref<1x72x128xf32, #tpu.memory_space<vmem>> -> memref<72x128xf32, #tpu.memory_space<vmem>>
      %dma_start3A_113 = arith.constant 128 : i32
      %dma_start3A_114 = tpu.memref_slice %arg5[%and3A_67, %dma_start3A_113] : memref<2x200xi32, #tpu.memory_space<vmem>> -> memref<1x72xi32, #tpu.memory_space<vmem>>
      %dma_start3A_115 = tpu.memref_squeeze %dma_start3A_114 : memref<1x72xi32, #tpu.memory_space<vmem>> -> memref<72xi32, #tpu.memory_space<vmem>>
      %dma_start3A_116 = arith.constant 0 : i32
      %dma_start3A_117 = arith.constant 0 : i32
      %dma_start3A_118 = tpu.memref_slice %arg2[%dma_start3A_116, %dma_start3A_117] : memref<500000x128xf32, #tpu.memory_space<hbm>> -> memref<500000x128xf32, #tpu.memory_space<hbm>>
      tpu.enqueue_indirect_dma source(%dma_start3A_118 : memref<500000x128xf32, #tpu.memory_space<hbm>>) target(%dma_start3A_112 : memref<72x128xf32, #tpu.memory_space<vmem>>) offsets(%dma_start3A_115 : memref<72xi32, #tpu.memory_space<vmem>>) semaphore(%arg8 : memref<!tpu.dma_semaphore, #tpu.memory_space<semaphore_mem>>)
      %dma_wait3A_119 = arith.constant 0 : i32
      %dma_wait3A_120 = arith.constant 0 : i32
      %dma_wait3A_121 = tpu.memref_slice %arg6[%and3A_67, %dma_wait3A_119, %dma_wait3A_120] : memref<2x200x128xf32, #tpu.memory_space<vmem>> -> memref<1x128x128xf32, #tpu.memory_space<vmem>>
      %dma_wait3A_122 = tpu.memref_squeeze %dma_wait3A_121 : memref<1x128x128xf32, #tpu.memory_space<vmem>> -> memref<128x128xf32, #tpu.memory_space<vmem>>
      %dma_wait3A_123 = arith.constant 0 : i32
      %dma_wait3A_124 = tpu.memref_slice %arg5[%and3A_67, %dma_wait3A_123] : memref<2x200xi32, #tpu.memory_space<vmem>> -> memref<1x128xi32, #tpu.memory_space<vmem>>
      %dma_wait3A_125 = tpu.memref_squeeze %dma_wait3A_124 : memref<1x128xi32, #tpu.memory_space<vmem>> -> memref<128xi32, #tpu.memory_space<vmem>>
      %dma_wait3A_126 = arith.constant 0 : i32
      %dma_wait3A_127 = arith.constant 0 : i32
      %dma_wait3A_128 = tpu.memref_slice %arg2[%dma_wait3A_126, %dma_wait3A_127] : memref<500000x128xf32, #tpu.memory_space<hbm>> -> memref<500000x128xf32, #tpu.memory_space<hbm>>
      tpu.wait_indirect_dma semaphore(%arg8 : memref<!tpu.dma_semaphore, #tpu.memory_space<semaphore_mem>>) src(%dma_wait3A_128 : memref<500000x128xf32, #tpu.memory_space<hbm>>) dst(%dma_wait3A_122 : memref<128x128xf32, #tpu.memory_space<vmem>>)
      %dma_wait3A_129 = arith.constant 128 : i32
      %dma_wait3A_130 = arith.constant 0 : i32
      %dma_wait3A_131 = tpu.memref_slice %arg6[%and3A_67, %dma_wait3A_129, %dma_wait3A_130] : memref<2x200x128xf32, #tpu.memory_space<vmem>> -> memref<1x72x128xf32, #tpu.memory_space<vmem>>
      %dma_wait3A_132 = tpu.memref_squeeze %dma_wait3A_131 : memref<1x72x128xf32, #tpu.memory_space<vmem>> -> memref<72x128xf32, #tpu.memory_space<vmem>>
      %dma_wait3A_133 = arith.constant 128 : i32
      %dma_wait3A_134 = tpu.memref_slice %arg5[%and3A_67, %dma_wait3A_133] : memref<2x200xi32, #tpu.memory_space<vmem>> -> memref<1x72xi32, #tpu.memory_space<vmem>>
      %dma_wait3A_135 = tpu.memref_squeeze %dma_wait3A_134 : memref<1x72xi32, #tpu.memory_space<vmem>> -> memref<72xi32, #tpu.memory_space<vmem>>
      %dma_wait3A_136 = arith.constant 0 : i32
      %dma_wait3A_137 = arith.constant 0 : i32
      %dma_wait3A_138 = tpu.memref_slice %arg2[%dma_wait3A_136, %dma_wait3A_137] : memref<500000x128xf32, #tpu.memory_space<hbm>> -> memref<500000x128xf32, #tpu.memory_space<hbm>>
      tpu.wait_indirect_dma semaphore(%arg8 : memref<!tpu.dma_semaphore, #tpu.memory_space<semaphore_mem>>) src(%dma_wait3A_138 : memref<500000x128xf32, #tpu.memory_space<hbm>>) dst(%dma_wait3A_132 : memref<72x128xf32, #tpu.memory_space<vmem>>)
      %add3A_139 = arith.addi %mul3A_2, %scan3A_66 : i32
      %dma_start3A_140 = arith.constant 0 : i32
      %dma_start3A_141 = arith.constant 0 : i32
      %dma_start3A_142 = tpu.memref_slice %arg6[%and3A_67, %dma_start3A_140, %dma_start3A_141] : memref<2x200x128xf32, #tpu.memory_space<vmem>> -> memref<1x200x128xf32, #tpu.memory_space<vmem>>
      %dma_start3A_143 = tpu.memref_squeeze %dma_start3A_142 : memref<1x200x128xf32, #tpu.memory_space<vmem>> -> memref<200x128xf32, #tpu.memory_space<vmem>>
      %dma_start3A_144 = arith.constant 0 : i32
      %dma_start3A_145 = arith.constant 0 : i32
      %dma_start3A_146 = tpu.memref_slice %arg4[%add3A_139, %dma_start3A_144, %dma_start3A_145] : memref<4096x200x128xf32, #tpu.memory_space<hbm>> -> memref<1x200x128xf32, #tpu.memory_space<hbm>>
      %dma_start3A_147 = tpu.memref_squeeze %dma_start3A_146 : memref<1x200x128xf32, #tpu.memory_space<hbm>> -> memref<200x128xf32, #tpu.memory_space<hbm>>
      %dma_start3A_148 = arith.constant 0 : i32
      %dma_start3A_149 = arith.constant 0 : i32
      %dma_start3A_150 = tpu.memref_slice %arg4[%add3A_139, %dma_start3A_148, %dma_start3A_149] : memref<4096x200x128xf32, #tpu.memory_space<hbm>> -> memref<1x200x128xf32, #tpu.memory_space<hbm>>
      %dma_start3A_151 = tpu.memref_squeeze %dma_start3A_150 : memref<1x200x128xf32, #tpu.memory_space<hbm>> -> memref<200x128xf32, #tpu.memory_space<hbm>>
      %dma_start3A_152 = arith.constant 0 : i32
      %dma_start3A_153 = arith.constant 0 : i32
      %dma_start3A_154 = tpu.memref_slice %arg6[%and3A_67, %dma_start3A_152, %dma_start3A_153] : memref<2x200x128xf32, #tpu.memory_space<vmem>> -> memref<1x200x128xf32, #tpu.memory_space<vmem>>
      %dma_start3A_155 = tpu.memref_squeeze %dma_start3A_154 : memref<1x200x128xf32, #tpu.memory_space<vmem>> -> memref<200x128xf32, #tpu.memory_space<vmem>>
      tpu.enqueue_dma source(%dma_start3A_155 : memref<200x128xf32, #tpu.memory_space<vmem>>) target(%dma_start3A_151 : memref<200x128xf32, #tpu.memory_space<hbm>>) target_semaphore(%arg9 : memref<!tpu.dma_semaphore, #tpu.memory_space<semaphore_mem>>)
    }
    %scan3A_19 = arith.constant 128 : i32
    %dma_wait3A = arith.constant 0 : i32
    %dma_wait3A_20 = arith.constant 0 : i32
    %dma_wait3A_21 = arith.constant 0 : i32
    %dma_wait3A_22 = tpu.memref_slice %arg6[%dma_wait3A, %dma_wait3A_20, %dma_wait3A_21] : memref<2x200x128xf32, #tpu.memory_space<vmem>> -> memref<1x200x128xf32, #tpu.memory_space<vmem>>
    %dma_wait3A_23 = tpu.memref_squeeze %dma_wait3A_22 : memref<1x200x128xf32, #tpu.memory_space<vmem>> -> memref<200x128xf32, #tpu.memory_space<vmem>>
    %dma_wait3A_24 = arith.constant 0 : i32
    %dma_wait3A_25 = arith.constant 0 : i32
    %dma_wait3A_26 = tpu.memref_slice %arg4[%mul3A_2, %dma_wait3A_24, %dma_wait3A_25] : memref<4096x200x128xf32, #tpu.memory_space<hbm>> -> memref<1x200x128xf32, #tpu.memory_space<hbm>>
    %dma_wait3A_27 = tpu.memref_squeeze %dma_wait3A_26 : memref<1x200x128xf32, #tpu.memory_space<hbm>> -> memref<200x128xf32, #tpu.memory_space<hbm>>
    %dma_wait3A_28 = arith.constant 0 : i32
    %dma_wait3A_29 = arith.constant 0 : i32
    %dma_wait3A_30 = tpu.memref_slice %arg4[%mul3A_2, %dma_wait3A_28, %dma_wait3A_29] : memref<4096x200x128xf32, #tpu.memory_space<hbm>> -> memref<1x200x128xf32, #tpu.memory_space<hbm>>
    %dma_wait3A_31 = tpu.memref_squeeze %dma_wait3A_30 : memref<1x200x128xf32, #tpu.memory_space<hbm>> -> memref<200x128xf32, #tpu.memory_space<hbm>>
    %dma_wait3A_32 = arith.constant 0 : i32
    %dma_wait3A_33 = arith.constant 0 : i32
    %dma_wait3A_34 = tpu.memref_slice %arg6[%dma_wait3A, %dma_wait3A_32, %dma_wait3A_33] : memref<2x200x128xf32, #tpu.memory_space<vmem>> -> memref<1x200x128xf32, #tpu.memory_space<vmem>>
    %dma_wait3A_35 = tpu.memref_squeeze %dma_wait3A_34 : memref<1x200x128xf32, #tpu.memory_space<vmem>> -> memref<200x128xf32, #tpu.memory_space<vmem>>
    tpu.wait_dma2 semaphore(%arg9 : memref<!tpu.dma_semaphore, #tpu.memory_space<semaphore_mem>>) src(%dma_wait3A_35 : memref<200x128xf32, #tpu.memory_space<vmem>>) dst(%dma_wait3A_31 : memref<200x128xf32, #tpu.memory_space<hbm>>)
    %dma_wait3A_36 = arith.constant 1 : i32
    %dma_wait3A_37 = arith.constant 0 : i32
    %dma_wait3A_38 = arith.constant 0 : i32
    %dma_wait3A_39 = tpu.memref_slice %arg6[%dma_wait3A_36, %dma_wait3A_37, %dma_wait3A_38] : memref<2x200x128xf32, #tpu.memory_space<vmem>> -> memref<1x200x128xf32, #tpu.memory_space<vmem>>
    %dma_wait3A_40 = tpu.memref_squeeze %dma_wait3A_39 : memref<1x200x128xf32, #tpu.memory_space<vmem>> -> memref<200x128xf32, #tpu.memory_space<vmem>>
    %dma_wait3A_41 = arith.constant 0 : i32
    %dma_wait3A_42 = arith.constant 0 : i32
    %dma_wait3A_43 = tpu.memref_slice %arg4[%mul3A_2, %dma_wait3A_41, %dma_wait3A_42] : memref<4096x200x128xf32, #tpu.memory_space<hbm>> -> memref<1x200x128xf32, #tpu.memory_space<hbm>>
    %dma_wait3A_44 = tpu.memref_squeeze %dma_wait3A_43 : memref<1x200x128xf32, #tpu.memory_space<hbm>> -> memref<200x128xf32, #tpu.memory_space<hbm>>
    %dma_wait3A_45 = arith.constant 0 : i32
    %dma_wait3A_46 = arith.constant 0 : i32
    %dma_wait3A_47 = tpu.memref_slice %arg4[%mul3A_2, %dma_wait3A_45, %dma_wait3A_46] : memref<4096x200x128xf32, #tpu.memory_space<hbm>> -> memref<1x200x128xf32, #tpu.memory_space<hbm>>
    %dma_wait3A_48 = tpu.memref_squeeze %dma_wait3A_47 : memref<1x200x128xf32, #tpu.memory_space<hbm>> -> memref<200x128xf32, #tpu.memory_space<hbm>>
    %dma_wait3A_49 = arith.constant 0 : i32
    %dma_wait3A_50 = arith.constant 0 : i32
    %dma_wait3A_51 = tpu.memref_slice %arg6[%dma_wait3A_36, %dma_wait3A_49, %dma_wait3A_50] : memref<2x200x128xf32, #tpu.memory_space<vmem>> -> memref<1x200x128xf32, #tpu.memory_space<vmem>>
    %dma_wait3A_52 = tpu.memref_squeeze %dma_wait3A_51 : memref<1x200x128xf32, #tpu.memory_space<vmem>> -> memref<200x128xf32, #tpu.memory_space<vmem>>
    tpu.wait_dma2 semaphore(%arg9 : memref<!tpu.dma_semaphore, #tpu.memory_space<semaphore_mem>>) src(%dma_wait3A_52 : memref<200x128xf32, #tpu.memory_space<vmem>>) dst(%dma_wait3A_48 : memref<200x128xf32, #tpu.memory_space<hbm>>)
    %dma_wait3A_53 = arith.constant 0 : i32
    %dma_wait3A_54 = arith.constant 0 : i32
    %dma_wait3A_55 = tpu.memref_slice %arg5[%dma_wait3A_53, %dma_wait3A_54] : memref<2x200xi32, #tpu.memory_space<vmem>> -> memref<1x200xi32, #tpu.memory_space<vmem>>
    %dma_wait3A_56 = tpu.memref_squeeze %dma_wait3A_55 : memref<1x200xi32, #tpu.memory_space<vmem>> -> memref<200xi32, #tpu.memory_space<vmem>>
    %dma_wait3A_57 = arith.constant 0 : i32
    %dma_wait3A_58 = tpu.memref_slice %arg3[%mul3A_2, %dma_wait3A_57] : memref<4096x200xi32, #tpu.memory_space<hbm>> -> memref<1x200xi32, #tpu.memory_space<hbm>>
    %dma_wait3A_59 = tpu.memref_squeeze %dma_wait3A_58 : memref<1x200xi32, #tpu.memory_space<hbm>> -> memref<200xi32, #tpu.memory_space<hbm>>
    %dma_wait3A_60 = arith.constant 0 : i32
    %dma_wait3A_61 = tpu.memref_slice %arg5[%dma_wait3A_53, %dma_wait3A_60] : memref<2x200xi32, #tpu.memory_space<vmem>> -> memref<1x200xi32, #tpu.memory_space<vmem>>
    %dma_wait3A_62 = tpu.memref_squeeze %dma_wait3A_61 : memref<1x200xi32, #tpu.memory_space<vmem>> -> memref<200xi32, #tpu.memory_space<vmem>>
    %dma_wait3A_63 = arith.constant 0 : i32
    %dma_wait3A_64 = tpu.memref_slice %arg3[%mul3A_2, %dma_wait3A_63] : memref<4096x200xi32, #tpu.memory_space<hbm>> -> memref<1x200xi32, #tpu.memory_space<hbm>>
    %dma_wait3A_65 = tpu.memref_squeeze %dma_wait3A_64 : memref<1x200xi32, #tpu.memory_space<hbm>> -> memref<200xi32, #tpu.memory_space<hbm>>
    tpu.wait_dma2 semaphore(%arg7 : memref<!tpu.dma_semaphore, #tpu.memory_space<semaphore_mem>>) src(%dma_wait3A_65 : memref<200xi32, #tpu.memory_space<hbm>>) dst(%dma_wait3A_62 : memref<200xi32, #tpu.memory_space<vmem>>)
    return
  }
}

module attributes {stable_mosaic.version = 14 : i64} {
  func.func @_select_norm_body(%arg0: i32, %arg1: memref<32x200x128xf32, #tpu.memory_space<vmem>>, %arg2: memref<32x200xi32, #tpu.memory_space<vmem>>, %arg3: memref<32x200x64xf32, #tpu.memory_space<vmem>>) attributes {dimension_semantics = [#tpu.dimension_semantics<arbitrary>], iteration_bounds = array<i64: 128>, scalar_prefetch = 0 : i64, scratch_operands = 0 : i64, tpu.core_type = #tpu.core_type<tc>, window_params = [{transform_indices = @transform_0, window_bounds = array<i64: 32, 200, 128>}, {transform_indices = @transform_1, window_bounds = array<i64: 32, 200>}, {transform_indices = @transform_2, window_bounds = array<i64: 32, 200, 64>}]} {
    %get3A = arith.constant 0 : index
    %get3A_0 = arith.constant 0 : index
    %get3A_1 = arith.constant 0 : index
    %get3A_2 = vector.load %arg1[%get3A, %get3A_0, %get3A_1] : memref<32x200x128xf32, #tpu.memory_space<vmem>>, vector<32x200x128xf32>
    %iota3A = tpu.iota {dimensions = array<i32: 0>} : vector<128x128xi32>
    %iota3A_3 = tpu.iota {dimensions = array<i32: 1>} : vector<128x128xi32>
    %lt3A = arith.constant 64 : i32
    %lt3A_4 = vector.broadcast %lt3A : i32 to vector<128x128xi32>
    %lt3A_5 = arith.cmpi slt, %iota3A, %lt3A_4 : vector<128x128xi32>
    %lt3A_6 = arith.constant 64 : i32
    %lt3A_7 = vector.broadcast %lt3A_6 : i32 to vector<128x128xi32>
    %lt3A_8 = arith.cmpi slt, %iota3A_3, %lt3A_7 : vector<128x128xi32>
    %eq3A = arith.xori %lt3A_5, %lt3A_8 : vector<128x128xi1>
    %eq3A_9 = arith.constant dense<true> : vector<128x128xi1>
    %eq3A_10 = arith.xori %eq3A, %eq3A_9 : vector<128x128xi1>
    %jit3A = arith.constant 1.000000e+00 : f32
    %jit3A_11 = arith.constant 0.000000e+00 : f32
    %broadcast_in_dim3A = vector.broadcast %jit3A : f32 to vector<128x128xf32>
    %broadcast_in_dim3A_12 = vector.broadcast %jit3A_11 : f32 to vector<128x128xf32>
    %select_n3A = arith.select %eq3A_10, %broadcast_in_dim3A, %broadcast_in_dim3A_12 : vector<128x128xi1>, vector<128x128xf32>
    %mul3A = arith.mulf %get3A_2, %get3A_2 : vector<32x200x128xf32>
    %slice3A = vector.extract_strided_slice %mul3A {offsets = [0, 0, 0], sizes = [1, 200, 128], strides = [1, 1, 1]} : vector<32x200x128xf32> to vector<1x200x128xf32>
    %squeeze3A = vector.shape_cast %slice3A : vector<1x200x128xf32> to vector<200x128xf32>
    %dot_general3A = arith.constant dense<0.000000e+00> : vector<200x128xf32>
    %dot_general3A_13 = tpu.matmul %squeeze3A, %select_n3A, %dot_general3A {dimension_numbers = #tpu.dot_dimension_numbers<[1], [0], [0], [1], [0, 0, 1, 1], [], []>, transpose_lhs_hint = false} : vector<200x128xf32>, vector<128x128xf32>, vector<200x128xf32> -> vector<200x128xf32>
    %slice3A_14 = vector.extract_strided_slice %mul3A {offsets = [1, 0, 0], sizes = [1, 200, 128], strides = [1, 1, 1]} : vector<32x200x128xf32> to vector<1x200x128xf32>
    %squeeze3A_15 = vector.shape_cast %slice3A_14 : vector<1x200x128xf32> to vector<200x128xf32>
    %dot_general3A_16 = arith.constant dense<0.000000e+00> : vector<200x128xf32>
    %dot_general3A_17 = tpu.matmul %squeeze3A_15, %select_n3A, %dot_general3A_16 {dimension_numbers = #tpu.dot_dimension_numbers<[1], [0], [0], [1], [0, 0, 1, 1], [], []>, transpose_lhs_hint = false} : vector<200x128xf32>, vector<128x128xf32>, vector<200x128xf32> -> vector<200x128xf32>
    %slice3A_18 = vector.extract_strided_slice %mul3A {offsets = [2, 0, 0], sizes = [1, 200, 128], strides = [1, 1, 1]} : vector<32x200x128xf32> to vector<1x200x128xf32>
    %squeeze3A_19 = vector.shape_cast %slice3A_18 : vector<1x200x128xf32> to vector<200x128xf32>
    %dot_general3A_20 = arith.constant dense<0.000000e+00> : vector<200x128xf32>
    %dot_general3A_21 = tpu.matmul %squeeze3A_19, %select_n3A, %dot_general3A_20 {dimension_numbers = #tpu.dot_dimension_numbers<[1], [0], [0], [1], [0, 0, 1, 1], [], []>, transpose_lhs_hint = false} : vector<200x128xf32>, vector<128x128xf32>, vector<200x128xf32> -> vector<200x128xf32>
    %slice3A_22 = vector.extract_strided_slice %mul3A {offsets = [3, 0, 0], sizes = [1, 200, 128], strides = [1, 1, 1]} : vector<32x200x128xf32> to vector<1x200x128xf32>
    %squeeze3A_23 = vector.shape_cast %slice3A_22 : vector<1x200x128xf32> to vector<200x128xf32>
    %dot_general3A_24 = arith.constant dense<0.000000e+00> : vector<200x128xf32>
    %dot_general3A_25 = tpu.matmul %squeeze3A_23, %select_n3A, %dot_general3A_24 {dimension_numbers = #tpu.dot_dimension_numbers<[1], [0], [0], [1], [0, 0, 1, 1], [], []>, transpose_lhs_hint = false} : vector<200x128xf32>, vector<128x128xf32>, vector<200x128xf32> -> vector<200x128xf32>
    %slice3A_26 = vector.extract_strided_slice %mul3A {offsets = [4, 0, 0], sizes = [1, 200, 128], strides = [1, 1, 1]} : vector<32x200x128xf32> to vector<1x200x128xf32>
    %squeeze3A_27 = vector.shape_cast %slice3A_26 : vector<1x200x128xf32> to vector<200x128xf32>
    %dot_general3A_28 = arith.constant dense<0.000000e+00> : vector<200x128xf32>
    %dot_general3A_29 = tpu.matmul %squeeze3A_27, %select_n3A, %dot_general3A_28 {dimension_numbers = #tpu.dot_dimension_numbers<[1], [0], [0], [1], [0, 0, 1, 1], [], []>, transpose_lhs_hint = false} : vector<200x128xf32>, vector<128x128xf32>, vector<200x128xf32> -> vector<200x128xf32>
    %slice3A_30 = vector.extract_strided_slice %mul3A {offsets = [5, 0, 0], sizes = [1, 200, 128], strides = [1, 1, 1]} : vector<32x200x128xf32> to vector<1x200x128xf32>
    %squeeze3A_31 = vector.shape_cast %slice3A_30 : vector<1x200x128xf32> to vector<200x128xf32>
    %dot_general3A_32 = arith.constant dense<0.000000e+00> : vector<200x128xf32>
    %dot_general3A_33 = tpu.matmul %squeeze3A_31, %select_n3A, %dot_general3A_32 {dimension_numbers = #tpu.dot_dimension_numbers<[1], [0], [0], [1], [0, 0, 1, 1], [], []>, transpose_lhs_hint = false} : vector<200x128xf32>, vector<128x128xf32>, vector<200x128xf32> -> vector<200x128xf32>
    %slice3A_34 = vector.extract_strided_slice %mul3A {offsets = [6, 0, 0], sizes = [1, 200, 128], strides = [1, 1, 1]} : vector<32x200x128xf32> to vector<1x200x128xf32>
    %squeeze3A_35 = vector.shape_cast %slice3A_34 : vector<1x200x128xf32> to vector<200x128xf32>
    %dot_general3A_36 = arith.constant dense<0.000000e+00> : vector<200x128xf32>
    %dot_general3A_37 = tpu.matmul %squeeze3A_35, %select_n3A, %dot_general3A_36 {dimension_numbers = #tpu.dot_dimension_numbers<[1], [0], [0], [1], [0, 0, 1, 1], [], []>, transpose_lhs_hint = false} : vector<200x128xf32>, vector<128x128xf32>, vector<200x128xf32> -> vector<200x128xf32>
    %slice3A_38 = vector.extract_strided_slice %mul3A {offsets = [7, 0, 0], sizes = [1, 200, 128], strides = [1, 1, 1]} : vector<32x200x128xf32> to vector<1x200x128xf32>
    %squeeze3A_39 = vector.shape_cast %slice3A_38 : vector<1x200x128xf32> to vector<200x128xf32>
    %dot_general3A_40 = arith.constant dense<0.000000e+00> : vector<200x128xf32>
    %dot_general3A_41 = tpu.matmul %squeeze3A_39, %select_n3A, %dot_general3A_40 {dimension_numbers = #tpu.dot_dimension_numbers<[1], [0], [0], [1], [0, 0, 1, 1], [], []>, transpose_lhs_hint = false} : vector<200x128xf32>, vector<128x128xf32>, vector<200x128xf32> -> vector<200x128xf32>
    %slice3A_42 = vector.extract_strided_slice %mul3A {offsets = [8, 0, 0], sizes = [1, 200, 128], strides = [1, 1, 1]} : vector<32x200x128xf32> to vector<1x200x128xf32>
    %squeeze3A_43 = vector.shape_cast %slice3A_42 : vector<1x200x128xf32> to vector<200x128xf32>
    %dot_general3A_44 = arith.constant dense<0.000000e+00> : vector<200x128xf32>
    %dot_general3A_45 = tpu.matmul %squeeze3A_43, %select_n3A, %dot_general3A_44 {dimension_numbers = #tpu.dot_dimension_numbers<[1], [0], [0], [1], [0, 0, 1, 1], [], []>, transpose_lhs_hint = false} : vector<200x128xf32>, vector<128x128xf32>, vector<200x128xf32> -> vector<200x128xf32>
    %slice3A_46 = vector.extract_strided_slice %mul3A {offsets = [9, 0, 0], sizes = [1, 200, 128], strides = [1, 1, 1]} : vector<32x200x128xf32> to vector<1x200x128xf32>
    %squeeze3A_47 = vector.shape_cast %slice3A_46 : vector<1x200x128xf32> to vector<200x128xf32>
    %dot_general3A_48 = arith.constant dense<0.000000e+00> : vector<200x128xf32>
    %dot_general3A_49 = tpu.matmul %squeeze3A_47, %select_n3A, %dot_general3A_48 {dimension_numbers = #tpu.dot_dimension_numbers<[1], [0], [0], [1], [0, 0, 1, 1], [], []>, transpose_lhs_hint = false} : vector<200x128xf32>, vector<128x128xf32>, vector<200x128xf32> -> vector<200x128xf32>
    %slice3A_50 = vector.extract_strided_slice %mul3A {offsets = [10, 0, 0], sizes = [1, 200, 128], strides = [1, 1, 1]} : vector<32x200x128xf32> to vector<1x200x128xf32>
    %squeeze3A_51 = vector.shape_cast %slice3A_50 : vector<1x200x128xf32> to vector<200x128xf32>
    %dot_general3A_52 = arith.constant dense<0.000000e+00> : vector<200x128xf32>
    %dot_general3A_53 = tpu.matmul %squeeze3A_51, %select_n3A, %dot_general3A_52 {dimension_numbers = #tpu.dot_dimension_numbers<[1], [0], [0], [1], [0, 0, 1, 1], [], []>, transpose_lhs_hint = false} : vector<200x128xf32>, vector<128x128xf32>, vector<200x128xf32> -> vector<200x128xf32>
    %slice3A_54 = vector.extract_strided_slice %mul3A {offsets = [11, 0, 0], sizes = [1, 200, 128], strides = [1, 1, 1]} : vector<32x200x128xf32> to vector<1x200x128xf32>
    %squeeze3A_55 = vector.shape_cast %slice3A_54 : vector<1x200x128xf32> to vector<200x128xf32>
    %dot_general3A_56 = arith.constant dense<0.000000e+00> : vector<200x128xf32>
    %dot_general3A_57 = tpu.matmul %squeeze3A_55, %select_n3A, %dot_general3A_56 {dimension_numbers = #tpu.dot_dimension_numbers<[1], [0], [0], [1], [0, 0, 1, 1], [], []>, transpose_lhs_hint = false} : vector<200x128xf32>, vector<128x128xf32>, vector<200x128xf32> -> vector<200x128xf32>
    %slice3A_58 = vector.extract_strided_slice %mul3A {offsets = [12, 0, 0], sizes = [1, 200, 128], strides = [1, 1, 1]} : vector<32x200x128xf32> to vector<1x200x128xf32>
    %squeeze3A_59 = vector.shape_cast %slice3A_58 : vector<1x200x128xf32> to vector<200x128xf32>
    %dot_general3A_60 = arith.constant dense<0.000000e+00> : vector<200x128xf32>
    %dot_general3A_61 = tpu.matmul %squeeze3A_59, %select_n3A, %dot_general3A_60 {dimension_numbers = #tpu.dot_dimension_numbers<[1], [0], [0], [1], [0, 0, 1, 1], [], []>, transpose_lhs_hint = false} : vector<200x128xf32>, vector<128x128xf32>, vector<200x128xf32> -> vector<200x128xf32>
    %slice3A_62 = vector.extract_strided_slice %mul3A {offsets = [13, 0, 0], sizes = [1, 200, 128], strides = [1, 1, 1]} : vector<32x200x128xf32> to vector<1x200x128xf32>
    %squeeze3A_63 = vector.shape_cast %slice3A_62 : vector<1x200x128xf32> to vector<200x128xf32>
    %dot_general3A_64 = arith.constant dense<0.000000e+00> : vector<200x128xf32>
    %dot_general3A_65 = tpu.matmul %squeeze3A_63, %select_n3A, %dot_general3A_64 {dimension_numbers = #tpu.dot_dimension_numbers<[1], [0], [0], [1], [0, 0, 1, 1], [], []>, transpose_lhs_hint = false} : vector<200x128xf32>, vector<128x128xf32>, vector<200x128xf32> -> vector<200x128xf32>
    %slice3A_66 = vector.extract_strided_slice %mul3A {offsets = [14, 0, 0], sizes = [1, 200, 128], strides = [1, 1, 1]} : vector<32x200x128xf32> to vector<1x200x128xf32>
    %squeeze3A_67 = vector.shape_cast %slice3A_66 : vector<1x200x128xf32> to vector<200x128xf32>
    %dot_general3A_68 = arith.constant dense<0.000000e+00> : vector<200x128xf32>
    %dot_general3A_69 = tpu.matmul %squeeze3A_67, %select_n3A, %dot_general3A_68 {dimension_numbers = #tpu.dot_dimension_numbers<[1], [0], [0], [1], [0, 0, 1, 1], [], []>, transpose_lhs_hint = false} : vector<200x128xf32>, vector<128x128xf32>, vector<200x128xf32> -> vector<200x128xf32>
    %slice3A_70 = vector.extract_strided_slice %mul3A {offsets = [15, 0, 0], sizes = [1, 200, 128], strides = [1, 1, 1]} : vector<32x200x128xf32> to vector<1x200x128xf32>
    %squeeze3A_71 = vector.shape_cast %slice3A_70 : vector<1x200x128xf32> to vector<200x128xf32>
    %dot_general3A_72 = arith.constant dense<0.000000e+00> : vector<200x128xf32>
    %dot_general3A_73 = tpu.matmul %squeeze3A_71, %select_n3A, %dot_general3A_72 {dimension_numbers = #tpu.dot_dimension_numbers<[1], [0], [0], [1], [0, 0, 1, 1], [], []>, transpose_lhs_hint = false} : vector<200x128xf32>, vector<128x128xf32>, vector<200x128xf32> -> vector<200x128xf32>
    %slice3A_74 = vector.extract_strided_slice %mul3A {offsets = [16, 0, 0], sizes = [1, 200, 128], strides = [1, 1, 1]} : vector<32x200x128xf32> to vector<1x200x128xf32>
    %squeeze3A_75 = vector.shape_cast %slice3A_74 : vector<1x200x128xf32> to vector<200x128xf32>
    %dot_general3A_76 = arith.constant dense<0.000000e+00> : vector<200x128xf32>
    %dot_general3A_77 = tpu.matmul %squeeze3A_75, %select_n3A, %dot_general3A_76 {dimension_numbers = #tpu.dot_dimension_numbers<[1], [0], [0], [1], [0, 0, 1, 1], [], []>, transpose_lhs_hint = false} : vector<200x128xf32>, vector<128x128xf32>, vector<200x128xf32> -> vector<200x128xf32>
    %slice3A_78 = vector.extract_strided_slice %mul3A {offsets = [17, 0, 0], sizes = [1, 200, 128], strides = [1, 1, 1]} : vector<32x200x128xf32> to vector<1x200x128xf32>
    %squeeze3A_79 = vector.shape_cast %slice3A_78 : vector<1x200x128xf32> to vector<200x128xf32>
    %dot_general3A_80 = arith.constant dense<0.000000e+00> : vector<200x128xf32>
    %dot_general3A_81 = tpu.matmul %squeeze3A_79, %select_n3A, %dot_general3A_80 {dimension_numbers = #tpu.dot_dimension_numbers<[1], [0], [0], [1], [0, 0, 1, 1], [], []>, transpose_lhs_hint = false} : vector<200x128xf32>, vector<128x128xf32>, vector<200x128xf32> -> vector<200x128xf32>
    %slice3A_82 = vector.extract_strided_slice %mul3A {offsets = [18, 0, 0], sizes = [1, 200, 128], strides = [1, 1, 1]} : vector<32x200x128xf32> to vector<1x200x128xf32>
    %squeeze3A_83 = vector.shape_cast %slice3A_82 : vector<1x200x128xf32> to vector<200x128xf32>
    %dot_general3A_84 = arith.constant dense<0.000000e+00> : vector<200x128xf32>
    %dot_general3A_85 = tpu.matmul %squeeze3A_83, %select_n3A, %dot_general3A_84 {dimension_numbers = #tpu.dot_dimension_numbers<[1], [0], [0], [1], [0, 0, 1, 1], [], []>, transpose_lhs_hint = false} : vector<200x128xf32>, vector<128x128xf32>, vector<200x128xf32> -> vector<200x128xf32>
    %slice3A_86 = vector.extract_strided_slice %mul3A {offsets = [19, 0, 0], sizes = [1, 200, 128], strides = [1, 1, 1]} : vector<32x200x128xf32> to vector<1x200x128xf32>
    %squeeze3A_87 = vector.shape_cast %slice3A_86 : vector<1x200x128xf32> to vector<200x128xf32>
    %dot_general3A_88 = arith.constant dense<0.000000e+00> : vector<200x128xf32>
    %dot_general3A_89 = tpu.matmul %squeeze3A_87, %select_n3A, %dot_general3A_88 {dimension_numbers = #tpu.dot_dimension_numbers<[1], [0], [0], [1], [0, 0, 1, 1], [], []>, transpose_lhs_hint = false} : vector<200x128xf32>, vector<128x128xf32>, vector<200x128xf32> -> vector<200x128xf32>
    %slice3A_90 = vector.extract_strided_slice %mul3A {offsets = [20, 0, 0], sizes = [1, 200, 128], strides = [1, 1, 1]} : vector<32x200x128xf32> to vector<1x200x128xf32>
    %squeeze3A_91 = vector.shape_cast %slice3A_90 : vector<1x200x128xf32> to vector<200x128xf32>
    %dot_general3A_92 = arith.constant dense<0.000000e+00> : vector<200x128xf32>
    %dot_general3A_93 = tpu.matmul %squeeze3A_91, %select_n3A, %dot_general3A_92 {dimension_numbers = #tpu.dot_dimension_numbers<[1], [0], [0], [1], [0, 0, 1, 1], [], []>, transpose_lhs_hint = false} : vector<200x128xf32>, vector<128x128xf32>, vector<200x128xf32> -> vector<200x128xf32>
    %slice3A_94 = vector.extract_strided_slice %mul3A {offsets = [21, 0, 0], sizes = [1, 200, 128], strides = [1, 1, 1]} : vector<32x200x128xf32> to vector<1x200x128xf32>
    %squeeze3A_95 = vector.shape_cast %slice3A_94 : vector<1x200x128xf32> to vector<200x128xf32>
    %dot_general3A_96 = arith.constant dense<0.000000e+00> : vector<200x128xf32>
    %dot_general3A_97 = tpu.matmul %squeeze3A_95, %select_n3A, %dot_general3A_96 {dimension_numbers = #tpu.dot_dimension_numbers<[1], [0], [0], [1], [0, 0, 1, 1], [], []>, transpose_lhs_hint = false} : vector<200x128xf32>, vector<128x128xf32>, vector<200x128xf32> -> vector<200x128xf32>
    %slice3A_98 = vector.extract_strided_slice %mul3A {offsets = [22, 0, 0], sizes = [1, 200, 128], strides = [1, 1, 1]} : vector<32x200x128xf32> to vector<1x200x128xf32>
    %squeeze3A_99 = vector.shape_cast %slice3A_98 : vector<1x200x128xf32> to vector<200x128xf32>
    %dot_general3A_100 = arith.constant dense<0.000000e+00> : vector<200x128xf32>
    %dot_general3A_101 = tpu.matmul %squeeze3A_99, %select_n3A, %dot_general3A_100 {dimension_numbers = #tpu.dot_dimension_numbers<[1], [0], [0], [1], [0, 0, 1, 1], [], []>, transpose_lhs_hint = false} : vector<200x128xf32>, vector<128x128xf32>, vector<200x128xf32> -> vector<200x128xf32>
    %slice3A_102 = vector.extract_strided_slice %mul3A {offsets = [23, 0, 0], sizes = [1, 200, 128], strides = [1, 1, 1]} : vector<32x200x128xf32> to vector<1x200x128xf32>
    %squeeze3A_103 = vector.shape_cast %slice3A_102 : vector<1x200x128xf32> to vector<200x128xf32>
    %dot_general3A_104 = arith.constant dense<0.000000e+00> : vector<200x128xf32>
    %dot_general3A_105 = tpu.matmul %squeeze3A_103, %select_n3A, %dot_general3A_104 {dimension_numbers = #tpu.dot_dimension_numbers<[1], [0], [0], [1], [0, 0, 1, 1], [], []>, transpose_lhs_hint = false} : vector<200x128xf32>, vector<128x128xf32>, vector<200x128xf32> -> vector<200x128xf32>
    %slice3A_106 = vector.extract_strided_slice %mul3A {offsets = [24, 0, 0], sizes = [1, 200, 128], strides = [1, 1, 1]} : vector<32x200x128xf32> to vector<1x200x128xf32>
    %squeeze3A_107 = vector.shape_cast %slice3A_106 : vector<1x200x128xf32> to vector<200x128xf32>
    %dot_general3A_108 = arith.constant dense<0.000000e+00> : vector<200x128xf32>
    %dot_general3A_109 = tpu.matmul %squeeze3A_107, %select_n3A, %dot_general3A_108 {dimension_numbers = #tpu.dot_dimension_numbers<[1], [0], [0], [1], [0, 0, 1, 1], [], []>, transpose_lhs_hint = false} : vector<200x128xf32>, vector<128x128xf32>, vector<200x128xf32> -> vector<200x128xf32>
    %slice3A_110 = vector.extract_strided_slice %mul3A {offsets = [25, 0, 0], sizes = [1, 200, 128], strides = [1, 1, 1]} : vector<32x200x128xf32> to vector<1x200x128xf32>
    %squeeze3A_111 = vector.shape_cast %slice3A_110 : vector<1x200x128xf32> to vector<200x128xf32>
    %dot_general3A_112 = arith.constant dense<0.000000e+00> : vector<200x128xf32>
    %dot_general3A_113 = tpu.matmul %squeeze3A_111, %select_n3A, %dot_general3A_112 {dimension_numbers = #tpu.dot_dimension_numbers<[1], [0], [0], [1], [0, 0, 1, 1], [], []>, transpose_lhs_hint = false} : vector<200x128xf32>, vector<128x128xf32>, vector<200x128xf32> -> vector<200x128xf32>
    %slice3A_114 = vector.extract_strided_slice %mul3A {offsets = [26, 0, 0], sizes = [1, 200, 128], strides = [1, 1, 1]} : vector<32x200x128xf32> to vector<1x200x128xf32>
    %squeeze3A_115 = vector.shape_cast %slice3A_114 : vector<1x200x128xf32> to vector<200x128xf32>
    %dot_general3A_116 = arith.constant dense<0.000000e+00> : vector<200x128xf32>
    %dot_general3A_117 = tpu.matmul %squeeze3A_115, %select_n3A, %dot_general3A_116 {dimension_numbers = #tpu.dot_dimension_numbers<[1], [0], [0], [1], [0, 0, 1, 1], [], []>, transpose_lhs_hint = false} : vector<200x128xf32>, vector<128x128xf32>, vector<200x128xf32> -> vector<200x128xf32>
    %slice3A_118 = vector.extract_strided_slice %mul3A {offsets = [27, 0, 0], sizes = [1, 200, 128], strides = [1, 1, 1]} : vector<32x200x128xf32> to vector<1x200x128xf32>
    %squeeze3A_119 = vector.shape_cast %slice3A_118 : vector<1x200x128xf32> to vector<200x128xf32>
    %dot_general3A_120 = arith.constant dense<0.000000e+00> : vector<200x128xf32>
    %dot_general3A_121 = tpu.matmul %squeeze3A_119, %select_n3A, %dot_general3A_120 {dimension_numbers = #tpu.dot_dimension_numbers<[1], [0], [0], [1], [0, 0, 1, 1], [], []>, transpose_lhs_hint = false} : vector<200x128xf32>, vector<128x128xf32>, vector<200x128xf32> -> vector<200x128xf32>
    %slice3A_122 = vector.extract_strided_slice %mul3A {offsets = [28, 0, 0], sizes = [1, 200, 128], strides = [1, 1, 1]} : vector<32x200x128xf32> to vector<1x200x128xf32>
    %squeeze3A_123 = vector.shape_cast %slice3A_122 : vector<1x200x128xf32> to vector<200x128xf32>
    %dot_general3A_124 = arith.constant dense<0.000000e+00> : vector<200x128xf32>
    %dot_general3A_125 = tpu.matmul %squeeze3A_123, %select_n3A, %dot_general3A_124 {dimension_numbers = #tpu.dot_dimension_numbers<[1], [0], [0], [1], [0, 0, 1, 1], [], []>, transpose_lhs_hint = false} : vector<200x128xf32>, vector<128x128xf32>, vector<200x128xf32> -> vector<200x128xf32>
    %slice3A_126 = vector.extract_strided_slice %mul3A {offsets = [29, 0, 0], sizes = [1, 200, 128], strides = [1, 1, 1]} : vector<32x200x128xf32> to vector<1x200x128xf32>
    %squeeze3A_127 = vector.shape_cast %slice3A_126 : vector<1x200x128xf32> to vector<200x128xf32>
    %dot_general3A_128 = arith.constant dense<0.000000e+00> : vector<200x128xf32>
    %dot_general3A_129 = tpu.matmul %squeeze3A_127, %select_n3A, %dot_general3A_128 {dimension_numbers = #tpu.dot_dimension_numbers<[1], [0], [0], [1], [0, 0, 1, 1], [], []>, transpose_lhs_hint = false} : vector<200x128xf32>, vector<128x128xf32>, vector<200x128xf32> -> vector<200x128xf32>
    %slice3A_130 = vector.extract_strided_slice %mul3A {offsets = [30, 0, 0], sizes = [1, 200, 128], strides = [1, 1, 1]} : vector<32x200x128xf32> to vector<1x200x128xf32>
    %squeeze3A_131 = vector.shape_cast %slice3A_130 : vector<1x200x128xf32> to vector<200x128xf32>
    %dot_general3A_132 = arith.constant dense<0.000000e+00> : vector<200x128xf32>
    %dot_general3A_133 = tpu.matmul %squeeze3A_131, %select_n3A, %dot_general3A_132 {dimension_numbers = #tpu.dot_dimension_numbers<[1], [0], [0], [1], [0, 0, 1, 1], [], []>, transpose_lhs_hint = false} : vector<200x128xf32>, vector<128x128xf32>, vector<200x128xf32> -> vector<200x128xf32>
    %slice3A_134 = vector.extract_strided_slice %mul3A {offsets = [31, 0, 0], sizes = [1, 200, 128], strides = [1, 1, 1]} : vector<32x200x128xf32> to vector<1x200x128xf32>
    %squeeze3A_135 = vector.shape_cast %slice3A_134 : vector<1x200x128xf32> to vector<200x128xf32>
    %dot_general3A_136 = arith.constant dense<0.000000e+00> : vector<200x128xf32>
    %dot_general3A_137 = tpu.matmul %squeeze3A_135, %select_n3A, %dot_general3A_136 {dimension_numbers = #tpu.dot_dimension_numbers<[1], [0], [0], [1], [0, 0, 1, 1], [], []>, transpose_lhs_hint = false} : vector<200x128xf32>, vector<128x128xf32>, vector<200x128xf32> -> vector<200x128xf32>
    %stack3A = vector.shape_cast %dot_general3A_13 : vector<200x128xf32> to vector<1x200x128xf32>
    %stack3A_138 = vector.shape_cast %dot_general3A_17 : vector<200x128xf32> to vector<1x200x128xf32>
    %stack3A_139 = vector.shape_cast %dot_general3A_21 : vector<200x128xf32> to vector<1x200x128xf32>
    %stack3A_140 = vector.shape_cast %dot_general3A_25 : vector<200x128xf32> to vector<1x200x128xf32>
    %stack3A_141 = vector.shape_cast %dot_general3A_29 : vector<200x128xf32> to vector<1x200x128xf32>
    %stack3A_142 = vector.shape_cast %dot_general3A_33 : vector<200x128xf32> to vector<1x200x128xf32>
    %stack3A_143 = vector.shape_cast %dot_general3A_37 : vector<200x128xf32> to vector<1x200x128xf32>
    %stack3A_144 = vector.shape_cast %dot_general3A_41 : vector<200x128xf32> to vector<1x200x128xf32>
    %stack3A_145 = vector.shape_cast %dot_general3A_45 : vector<200x128xf32> to vector<1x200x128xf32>
    %stack3A_146 = vector.shape_cast %dot_general3A_49 : vector<200x128xf32> to vector<1x200x128xf32>
    %stack3A_147 = vector.shape_cast %dot_general3A_53 : vector<200x128xf32> to vector<1x200x128xf32>
    %stack3A_148 = vector.shape_cast %dot_general3A_57 : vector<200x128xf32> to vector<1x200x128xf32>
    %stack3A_149 = vector.shape_cast %dot_general3A_61 : vector<200x128xf32> to vector<1x200x128xf32>
    %stack3A_150 = vector.shape_cast %dot_general3A_65 : vector<200x128xf32> to vector<1x200x128xf32>
    %stack3A_151 = vector.shape_cast %dot_general3A_69 : vector<200x128xf32> to vector<1x200x128xf32>
    %stack3A_152 = vector.shape_cast %dot_general3A_73 : vector<200x128xf32> to vector<1x200x128xf32>
    %stack3A_153 = vector.shape_cast %dot_general3A_77 : vector<200x128xf32> to vector<1x200x128xf32>
    %stack3A_154 = vector.shape_cast %dot_general3A_81 : vector<200x128xf32> to vector<1x200x128xf32>
    %stack3A_155 = vector.shape_cast %dot_general3A_85 : vector<200x128xf32> to vector<1x200x128xf32>
    %stack3A_156 = vector.shape_cast %dot_general3A_89 : vector<200x128xf32> to vector<1x200x128xf32>
    %stack3A_157 = vector.shape_cast %dot_general3A_93 : vector<200x128xf32> to vector<1x200x128xf32>
    %stack3A_158 = vector.shape_cast %dot_general3A_97 : vector<200x128xf32> to vector<1x200x128xf32>
    %stack3A_159 = vector.shape_cast %dot_general3A_101 : vector<200x128xf32> to vector<1x200x128xf32>
    %stack3A_160 = vector.shape_cast %dot_general3A_105 : vector<200x128xf32> to vector<1x200x128xf32>
    %stack3A_161 = vector.shape_cast %dot_general3A_109 : vector<200x128xf32> to vector<1x200x128xf32>
    %stack3A_162 = vector.shape_cast %dot_general3A_113 : vector<200x128xf32> to vector<1x200x128xf32>
    %stack3A_163 = vector.shape_cast %dot_general3A_117 : vector<200x128xf32> to vector<1x200x128xf32>
    %stack3A_164 = vector.shape_cast %dot_general3A_121 : vector<200x128xf32> to vector<1x200x128xf32>
    %stack3A_165 = vector.shape_cast %dot_general3A_125 : vector<200x128xf32> to vector<1x200x128xf32>
    %stack3A_166 = vector.shape_cast %dot_general3A_129 : vector<200x128xf32> to vector<1x200x128xf32>
    %stack3A_167 = vector.shape_cast %dot_general3A_133 : vector<200x128xf32> to vector<1x200x128xf32>
    %stack3A_168 = vector.shape_cast %dot_general3A_137 : vector<200x128xf32> to vector<1x200x128xf32>
    %stack3A_169 = tpu.concatenate %stack3A, %stack3A_138, %stack3A_139, %stack3A_140, %stack3A_141, %stack3A_142, %stack3A_143, %stack3A_144, %stack3A_145, %stack3A_146, %stack3A_147, %stack3A_148, %stack3A_149, %stack3A_150, %stack3A_151, %stack3A_152, %stack3A_153, %stack3A_154, %stack3A_155, %stack3A_156, %stack3A_157, %stack3A_158, %stack3A_159, %stack3A_160, %stack3A_161, %stack3A_162, %stack3A_163, %stack3A_164, %stack3A_165, %stack3A_166, %stack3A_167, %stack3A_168 in 0 : vector<1x200x128xf32>, vector<1x200x128xf32>, vector<1x200x128xf32>, vector<1x200x128xf32>, vector<1x200x128xf32>, vector<1x200x128xf32>, vector<1x200x128xf32>, vector<1x200x128xf32>, vector<1x200x128xf32>, vector<1x200x128xf32>, vector<1x200x128xf32>, vector<1x200x128xf32>, vector<1x200x128xf32>, vector<1x200x128xf32>, vector<1x200x128xf32>, vector<1x200x128xf32>, vector<1x200x128xf32>, vector<1x200x128xf32>, vector<1x200x128xf32>, vector<1x200x128xf32>, vector<1x200x128xf32>, vector<1x200x128xf32>, vector<1x200x128xf32>, vector<1x200x128xf32>, vector<1x200x128xf32>, vector<1x200x128xf32>, vector<1x200x128xf32>, vector<1x200x128xf32>, vector<1x200x128xf32>, vector<1x200x128xf32>, vector<1x200x128xf32>, vector<1x200x128xf32> -> vector<32x200x128xf32>
    %sqrt3A = math.sqrt %stack3A_169 : vector<32x200x128xf32>
    %add3A = arith.constant 9.99999993E-9 : f32
    %add3A_170 = vector.broadcast %add3A : f32 to vector<32x200x128xf32>
    %add3A_171 = arith.addf %sqrt3A, %add3A_170 : vector<32x200x128xf32>
    %div3A = arith.divf %get3A_2, %add3A_171 : vector<32x200x128xf32>
    %get3A_172 = arith.constant 0 : index
    %get3A_173 = arith.constant 0 : index
    %get3A_174 = vector.load %arg2[%get3A_172, %get3A_173] : memref<32x200xi32, #tpu.memory_space<vmem>>, vector<32x200xi32>
    %and3A = arith.constant 1 : i32
    %and3A_175 = vector.broadcast %and3A : i32 to vector<32x200xi32>
    %and3A_176 = arith.andi %get3A_174, %and3A_175 : vector<32x200xi32>
    %broadcast_in_dim3A_177 = vector.shape_cast %and3A_176 : vector<32x200xi32> to vector<32x200x1xi32>
    %slice3A_178 = vector.extract_strided_slice %div3A {offsets = [0, 0, 64], sizes = [32, 200, 64], strides = [1, 1, 1]} : vector<32x200x128xf32> to vector<32x200x64xf32>
    %slice3A_179 = vector.extract_strided_slice %div3A {offsets = [0, 0, 0], sizes = [32, 200, 64], strides = [1, 1, 1]} : vector<32x200x128xf32> to vector<32x200x64xf32>
    %concatenate3A = tpu.concatenate %slice3A_178, %slice3A_179 in 2 : vector<32x200x64xf32>, vector<32x200x64xf32> -> vector<32x200x128xf32>
    %eq3A_180 = arith.constant 1 : i32
    %eq3A_181 = vector.broadcast %eq3A_180 : i32 to vector<32x200x1xi32>
    %eq3A_182 = arith.cmpi eq, %broadcast_in_dim3A_177, %eq3A_181 : vector<32x200x1xi32>
    %broadcast_in_dim3A_183 = vector.shape_cast %eq3A_182 : vector<32x200x1xi1> to vector<32x200x1xi1>
    %broadcast_in_dim3A_184 = vector.broadcast %broadcast_in_dim3A_183 : vector<32x200x1xi1> to vector<32x200x128xi1>
    %select_n3A_185 = arith.select %broadcast_in_dim3A_184, %concatenate3A, %div3A : vector<32x200x128xi1>, vector<32x200x128xf32>
    %slice3A_186 = vector.extract_strided_slice %select_n3A_185 {offsets = [0, 0, 0], sizes = [32, 200, 64], strides = [1, 1, 1]} : vector<32x200x128xf32> to vector<32x200x64xf32>
    %swap3A = arith.constant 0 : index
    %swap3A_187 = arith.constant 0 : index
    %swap3A_188 = arith.constant 0 : index
    %swap3A_189 = vector.load %arg3[%swap3A, %swap3A_187, %swap3A_188] : memref<32x200x64xf32, #tpu.memory_space<vmem>>, vector<32x200x64xf32>
    tpu.vector_store %arg3[%swap3A, %swap3A_187, %swap3A_188], %slice3A_186 {strides = array<i32>} : memref<32x200x64xf32, #tpu.memory_space<vmem>>, vector<32x200x64xf32>,
    return
  }
  func.func @transform_0(%arg0: i32) -> (i32, i32, i32) {
    %c0_i32 = arith.constant 0 : i32
    %c0_i32_0 = arith.constant 0 : i32
    %c0_i32_1 = arith.constant 0 : i32
    return %arg0, %c0_i32, %c0_i32_0 : i32, i32, i32
  }
  func.func @transform_1(%arg0: i32) -> (i32, i32) {
    %c0_i32 = arith.constant 0 : i32
    %c0_i32_0 = arith.constant 0 : i32
    return %arg0, %c0_i32 : i32, i32
  }
  func.func @transform_2(%arg0: i32) -> (i32, i32, i32) {
    %c0_i32 = arith.constant 0 : i32
    %c0_i32_0 = arith.constant 0 : i32
    %c0_i32_1 = arith.constant 0 : i32
    return %arg0, %c0_i32, %c0_i32_0 : i32, i32, i32
  }
}

</mosaic_0001>

<sc_bundles>
// kernel: kernel.4.cloned.1.call-start
scs
__scs_entry_jumppad:
0x0: {  	(pc) =	sbr.rel $0x88, $3  }
0x1: {  	(tag) =	ssettag $0x0;
	lr =	simm.s32 $0x1  }
0x2: {  	[smem:$0x3F9F] =	sst lr;
	_ =	strace $0xD0000000  }
0x3: {  	_ = 	snop  }
0x4: {  	_ = 	snop  }
0x5: {  	_ = 	snop  }
0x6: {  	_ = 	snop  }
0x7: {  	_ = 	snop  }
__scs_overlays_trampoline_lowered:
0x8: {  	[smem:$0x3FAE] =	sst s0  }
0x9: {  	[smem:$0x3FAF] =	sst s1  }
0xa: {  	[smem:$0x3FB0] =	sst s2  }
0xb: {  	[smem:$0x3FB1] =	sst s3  }
0xc: {  	[smem:$0x3FB2] =	sst s4  }
0xd: {  	[smem:$0x3FB3] =	sst s5  }
0xe: {  	[smem:$0x3FB4] =	sst s6  }
0xf: {  	[smem:$0x3FB5] =	sst s7  }
0x10: {  	[smem:$0x3FB6] =	sst s8  }
0x11: {  	[smem:$0x3FB7] =	sst s9;
	s0 =	simm.s32 @!p0 $0x0  }
0x12: {  	s1 =	sld [smem:$0x3F9D];
	s0 =	simm.s32 @p0 $0x1  }
0x13: {  	[smem:$0x3FB8] =	sst s0;
	s0 =	simm.s32 @!p1 $0x0  }
0x14: {  	s2 =	sld [smem:$0x3F9C];
	s0 =	simm.s32 @p1 $0x1  }
0x15: {  	[smem:$0x3FB9] =	sst s0;
	s0 =	simm.s32 @!p2 $0x0  }
0x16: {  	s3 =	sld [smem:$0x3FDB];
	s0 =	simm.s32 @p2 $0x1  }
0x17: {  	s4 =	simm.s32 $0x1BF5;
	[smem:$0x3FBB] =	sst s0  }
0x18: {  	s0 =	sld [smem:$0x3F9E];
	_ =	swait.ge [sflag:s4], $0x0  }
0x19: {  	s7 =	sld [smem:$0x3F9F]  }
0x1a: {  	s8 =	sadd.s32 $0xFFFFE003, lr  }
0x1b: {  	s9 =	sadd.s32 $0xFFFFFEF7, lr;
	s5 =	simm.s32 $0xFFFFFFFF;
	p2 =	slt.u32 s8, $0xFFFFF086  }
0x1c: {  	p1 =	slt.u32 s9, $0xF7A;
	s5 =	simm.s32 @!p2 $0x0  }
0x1d: {  	s5 =	simm.s32 @p1 $0x1;
	p0 =	seq.s32 s7, s2  }
0x1e: {  	s7 =	smul.u32 @!p0 $0xF7A, s2;
	p2 =	seq.s32 @!p0 s5, $0x0  }
0x1f: {  	s9 =	smul.u32 $0xF7A, s1;
	s8 =	simm.s32 @!p0 $0x1BF5;
	p2 =	por !p2, p0  }
0x20: {  	[sflag:s8] =	ssyncset.s32 @!p0 $0xFFFFF086;
	s6 =	sadd.s32 @!p0 s3, s7;
	s7 =	simm.s32 @!p0 $0x108  }
0x21: {  	s3 =	sadd.s32 s3, s9;
	s6 =	sadd.s32 @!p0 $0x88, s6;
	s7 =	simm.s32 @p2 $0x1082  }
0x22: {  	[simem:s7], [sflag:s8] =	dma.local @!p0 [hbm:s6], $0xF7A  }
0x23: {  	s9 =	sor.u32 $0xD0000000, s2;
	s6 =	simm.s32 $0x108;
	_ =	swait.ge @!p0 [sflag:s8], $0x0  }
0x24: {  	s3 =	sadd.s32 $0x88, s3;
	s6 =	simm.s32 @!p1 $0x1082;
	[sflag:s4] =	ssyncset.s32 $0xFFFFF086  }
0x25: {  	[simem:s6], [sflag:s4] =	dma.local [hbm:s3], $0xF7A  }
0x26: {  	[smem:$0x3F9F] =	sst s1;
	(tag) =	ssettag s2;
	_ =	strace s9  }
0x27: {  	s1 =	sld [smem:$0x3FAF]  }
0x28: {  	s2 =	sld [smem:$0x3FB0]  }
0x29: {  	s4 =	sld [smem:$0x3FB2]  }
0x2a: {  	p0 =	seq.s32 s5, $0x0;
	s5 =	sld [smem:$0x3FB3]  }
0x2b: {  	s6 =	sld [smem:$0x3FB4]  }
0x2c: {  	s7 =	sld [smem:$0x3FB5]  }
0x2d: {  	s3 =	simm.s32 $0x108;
	s8 =	sld [smem:$0x3FB6]  }
0x2e: {  	s3 =	simm.s32 @!p0 $0x1082;
	s9 =	sld [smem:$0x3FB7]  }
0x2f: {  	lr =	sadd.s32 s0, s3;
	s0 =	sld [smem:$0x3FAE]  }
0x30: {  	s3 =	sld [smem:$0x3FB1]  }
0x31: {  	[smem:$0x3FBA] =	sst s10  }
0x32: {  	s10 =	sld [smem:$0x3FB8];
	_ =	sdelay $0x3  }
0x33: {  	p0 =	seq.s32 s10, $0x1;
	s10 =	sld [smem:$0x3FBA];
	_ =	sdelay $0x3  }
0x34: {  	[smem:$0x3FBA] =	sst s10  }
0x35: {  	s10 =	sld [smem:$0x3FB9];
	_ =	sdelay $0x3  }
0x36: {  	p1 =	seq.s32 s10, $0x1;
	s10 =	sld [smem:$0x3FBA];
	_ =	sdelay $0x3  }
0x37: {  	[smem:$0x3FBA] =	sst s10  }
0x38: {  	s10 =	sld [smem:$0x3FBB]  }
0x39: {  	_ = 	snop;
	(pc) =	sbr.ind lr, $3  }
0x3a: {  	_ = 	snop  }
0x3b: {  	_ = 	snop  }
0x3c: {  	p2 =	seq.s32 s10, $0x1;
	s10 =	sld [smem:$0x3FBA]  }
0x3d: {  	_ =	shalt  }
0x3e: {  	_ =	shalt  }
0x3f: {  	_ =	shalt  }
0x40: {  	_ =	shalt  }
0x41: {  	_ =	shalt  }
0x42: {  	_ =	shalt  }
0x43: {  	_ =	shalt  }
0x44: {  	_ =	shalt  }
0x45: {  	_ =	shalt  }
0x46: {  	_ =	shalt  }
0x47: {  	_ =	shalt  }
0x48: {  	_ =	shalt  }
0x49: {  	_ =	shalt  }
0x4a: {  	_ =	shalt  }
0x4b: {  	_ =	shalt  }
0x4c: {  	_ =	shalt  }
0x4d: {  	_ =	shalt  }
0x4e: {  	_ =	shalt  }
0x4f: {  	_ =	shalt  }
0x50: {  	_ =	shalt  }
0x51: {  	_ =	shalt  }
0x52: {  	_ =	shalt  }
0x53: {  	_ =	shalt  }
0x54: {  	_ =	shalt  }
0x55: {  	_ =	shalt  }
0x56: {  	_ =	shalt  }
0x57: {  	_ =	shalt  }
0x58: {  	_ =	shalt  }
0x59: {  	_ =	shalt  }
0x5a: {  	_ =	shalt  }
0x5b: {  	_ =	shalt  }
0x5c: {  	_ =	shalt  }
0x5d: {  	_ =	shalt  }
0x5e: {  	_ =	shalt  }
0x5f: {  	_ =	shalt  }
0x60: {  	_ =	shalt  }
0x61: {  	_ =	shalt  }
0x62: {  	_ =	shalt  }
0x63: {  	_ =	shalt  }
0x64: {  	_ =	shalt  }
0x65: {  	_ =	shalt  }
0x66: {  	_ =	shalt  }
0x67: {  	_ =	shalt  }
0x68: {  	_ =	shalt  }
0x69: {  	_ =	shalt  }
0x6a: {  	_ =	shalt  }
0x6b: {  	_ =	shalt  }
0x6c: {  	_ =	shalt  }
0x6d: {  	_ =	shalt  }
0x6e: {  	_ =	shalt  }
0x6f: {  	_ =	shalt  }
0x70: {  	_ =	shalt  }
0x71: {  	_ =	shalt  }
0x72: {  	_ =	shalt  }
0x73: {  	_ =	shalt  }
0x74: {  	_ =	shalt  }
0x75: {  	_ =	shalt  }
0x76: {  	_ =	shalt  }
0x77: {  	_ =	shalt  }
0x78: {  	_ =	shalt  }
0x79: {  	_ =	shalt  }
0x7a: {  	_ =	shalt  }
0x7b: {  	_ =	shalt  }
0x7c: {  	_ =	shalt  }
0x7d: {  	_ =	shalt  }
0x7e: {  	_ =	shalt  }
0x7f: {  	_ =	shalt  }
0x80: {  	_ =	shalt  }
0x81: {  	_ =	shalt  }
0x82: {  	_ =	shalt  }
0x83: {  	_ =	shalt  }
0x84: {  	_ =	shalt  }
0x85: {  	_ =	shalt  }
0x86: {  	_ =	shalt  }
0x87: {  	_ =	shalt  }
.Lfunc_end0:
.L_simem_size_0:
called_computation_lowered:
.L_overlay_start_0:
0x88: {  	s2 =	sld [smem:$0x3FD9]  }
0x89: {  	s3 =	sld [smem:$0x3FFE];
	_ =	sdelay $0x1  }
0x8a: {  	s1 =	srdreg.scid  }
0x8b: {  	s0 =	sand.u32 $0x1, s1  }
0x8c: {  	s17 =	sshll.u32 s0, $0xA;
	s2 =	sadd.s32 s3, s2  }
0x8d: {  	s2 =	sadd.s32 s2, s17  }
0x8e: {  	[smem:$0x3FC6] =	sst s2  }
0x8f: {  	_ = 	snop  }
0x90: {  	s2 =	sld [smem:$0x3FD0];
	(tm) =	ssettm $0x1  }
0x91: {  	s18 =	sld [smem:$0x3FFB];
	_ =	sdelay $0x3  }
0x92: {  	_ =	strace s18  }
0x93: {  	s3 =	sld [smem:$0x3FFC];
	_ =	sdelay $0x3  }
0x94: {  	_ =	strace s3  }
0x95: {  	s3 =	sld [smem:$0x3FFD];
	_ =	sdelay $0x3  }
0x96: {  	_ =	strace s3  }
0x97: {  	_ =	strace $0x8FFFFFFF  }
0x98: {  	s19 =	sld [smem:$0x3FDB];
	_ =	sdelay $0x1  }
0x99: {  	s4 =	simm.s32 $_scs_section_size  }
0x9a: {  	s5 =	simm.s32 $_size__tile_overlayer_lowered;
	s6 =	simm.s32 $_tile_overlayer_lowered  }
0x9b: {  	s22 =	simm.s32 $0x1BFF;
	s21 =	sshll.u32 s6, $0x1;
	s3 =	sadd.s32 s4, s19  }
0x9c: {  	s7 =	simm.s32 $0x0;
	s20 =	sshll.u32 s5, $0x1;
	s5 =	sadd.s32 s21, s3  }
0x9d: {  	[timem:s7], [sflag:s22] =	dma.local [hbm:s5], s20  }
0x9e: {  	_ =	swait.ge [sflag:s22], s20  }
0x9f: {  	s4 =	ssub.s32 $0x0, s20;
	[sflag:s22] =	ssyncset.done $0x0  }
0xa0: {  	[sflag:s22] =	ssyncadd.s32 s4;
	_ =	sdelay $0x1  }
0xa1: {  	s23 =	simm.s32 $0x1B8B  }
0xa2: {  	_ =	swait.ge [sflag:s23], $0x1  }
0xa3: {  	[sflag:s23] =	ssyncset.done $0x0  }
0xa4: {  	s25 =	simm.s32 $0x1B8E;
	s24 =	sld [smem:$0x3FFE];
	[sflag:s23] =	ssyncadd.s32 $0xFFFFFFFF  }
0xa5: {  	s26 =	simm.s32 $execute0_lowered;
	[smem:$0x3FD2] =	sst s25  }
0xa6: {  	s5 =	sshll.u32 s26, $0x1;
	_ =	strace $0x80000046;
	[dreg:$0x1] =	wrdreg $0xFFFFFFFF  }
0xa7: {  	s28 =	simm.s32 $_size_execute0_lowered;
	s3 =	sadd.s32 s3, s5;
	[dreg:$0x0] =	wrdreg $0x0  }
0xa8: {  	s5 =	sshll.u32 s28, $0x1;
	[dreg:$0x2] =	wrdreg s3  }
0xa9: {  	[dreg:$0x3] =	wrdreg s5  }
0xaa: {  	[dreg:$0x4] =	wrdreg $0xC0  }
0xab: {  	_ =	task [dreg:s7], $0x5FFFF  }
0xac: {  	[dreg:$0x1] =	wrdreg $0xFFFFFFFF  }
0xad: {  	[dreg:$0x0] =	wrdreg $0x60  }
0xae: {  	[dreg:$0x2] =	wrdreg s24  }
0xaf: {  	[dreg:$0x3] =	wrdreg s2  }
0xb0: {  	[dreg:$0x4] =	wrdreg $0x9  }
0xb1: {  	_ =	task.clear_ibuf [dreg:s7], $0x5FFFF;
	_ =	strace $0x90000046  }
0xb2: {  	s29 =	simm.s32 $0x9;
	_ =	strace $0x80000048  }
0xb3: {  	_ =	swait.ge [sflag:s29], $0x1  }
0xb4: {  	[sflag:s29] =	ssyncadd.s32 $0xFFFFFFFF  }
0xb5: {  	_ =	strace $0x90000048  }
0xb6: {  	_ =	sfence  }
0xb7: {  	s30 =	sld [smem:$0x0];
	_ =	sdelay $0x2  }
0xb8: {  	s31 =	sshll.u32 s1, $0xD;
	s1 =	sshrl.u32 s1, $0x2  }
0xb9: {  	s3 =	sand.u32 $0x4000, s31;
	s1 =	sadd.s32 s1, s30  }
0xba: {  	s0 =	sor.u32 s3, s0;
	s1 =	sshll.u32 s1, $0x11  }
0xbb: {  	s0 =	sor.u32 s1, s0  }
0xbc: {  	s0 =	sadd.s32 $0x8F2B, s0  }
0xbd: {  	[sflag:s0] =	ssyncadd.remote.s32 $0x1  }
0xbe: {  	_ =	sfence.sel $0xFFFF  }
0xbf: {  	[dreg:$0x0] =	wrdreg $0xFFFFFFFF;
	(pc) =	sbr.abs _section_cstart, $3  }
0xc0: {  	[dreg:$0x1] =	wrdreg $0xFFFFFFFF  }
0xc1: {  	_ =	task.clear_ibuf [dreg:s7], $0x2FFFF;
	_ =	strace $0x9FFFFFFF  }
0xc2: {  	(tm) =	ssettm $0x7FFFFFFF  }
0xc3: {  	_ =	shalt  }
tec
execute0_lowered:
.L_overlay_start_1:
0x0: {  	(tag) =	ssettag $0x1  }
0x1: {  	s6 =	rddreg [dreg:$0x0]  }
0x2: {  	s1 =	rddreg [dreg:$0x1]  }
0x3: {  	s0 =	rddreg [dreg:$0x2];
	s3 =	simm.s32 $0x0;
	s2 =	stileid.u32  }
0x4: {  	s5 =	srdreg.scid;
	s12 =	simm.s32 $0x80;
	s13 =	simm.s32 $0x48  }
0x5: {  	s14 =	simm.s32 $0x2;
	s15 =	simm.s32 $0x3;
	s16 =	simm.s32 $0x0  }
0x6: {  	[smem:$0x7FF] =	sst s3;
	s4 =	sadd.s32 $0xF62C00, s6;
	s7 =	smul.u32 $0xC8000, s2  }
0x7: {  	s8 =	sand.u32 $0x1, s5;
	s26 =	sshll.u32 s2, $0x8;
	_ =	strace $0x80000047  }
0x8: {  	s9 =	ssub.s32 $0x2, s8;
	s10 =	sshll.u32 s8, $0x7;
	s8 =	smul.u32 $0x64000, s8  }
0x9: {  	s11 =	sshrl.u32 s9, $0x1;
	s5 =	sor.u32 s10, s26;
	s28 =	sadd.s32 s7, s6  }
0xa: {  	s10 =	simm.s32 $0x100;
	s29 =	ssub.s32 s9, s11;
	s30 =	sshll.u32 s5, $0x5  }
0xb: {  	s31 =	sadd.s32 s8, s28;
	s11 =	simm.s32 $0x1;
	s6 =	sadd.s32 s1, s30  }
0xc: {  	s7 =	smax.u32 s29, $0x1;
	s9 =	sadd.s32 $0x20800, s31;
	s8 =	sadd.s32 $0x80, s6  }
.LBB2_1:
0xd: {  	[tilespmem:s3], [sflag:$0x1] =	stream.linear.gather [hbm4b:s6+s3], $0x80, $0x38;
	[tilespmem:$0xCA00] =	vst v63  }
0xe: {  	s18 =	simm.s32 $0x1  }
0xf: {  	s20 =	sand.u32 $0x1, s3;
	s17 =	smin.u32 s18, $0x7F  }
0x10: {  	[tilespmem:s10], [sflag:$0x1] =	stream.linear.gather [hbm4b:s8+s3], $0x80, $0x38;
	[tilespmem:$0xCA00] =	vst v63  }
0x11: {  	s21 =	sshll.u32 s20, $0x7;
	s19 =	sor.u32 s5, s17;
	s17 =	sshll.u32 s17, $0x4  }
0x12: {  	s19 =	sshll.u32 s19, $0x5;
	s17 =	sand.u32 $0x70, s17;
	_ =	swait.ge [sflag:s11], $0x100  }
0x13: {  	s19 =	sand.u32 $0x1FF00, s19;
	s17 =	sadd.s32 s1, s17;
	[sflag:s11] =	ssyncset.done $0x0  }
0x14: {  	s31 =	sxor.u32 $0x80, s21;
	s17 =	sadd.s32 s19, s17;
	[sflag:s11] =	ssyncadd.s32 $0xFFFFFF00  }
0x15: {  	[tilespmem:s31], [sflag:$0x1] =	stream.linear.gather [hbm4b:s17+s3], $0x80, $0x38;
	[tilespmem:$0xCA00] =	vst v63  }
0x16: {  	p0 =	por $0x1, $0x1;
	s19 =	sor.u32 $0x100, s31;
	s17 =	sadd.s32 $0x80, s17  }
0x17: {  	[tilespmem:s19], [sflag:$0x1] =	stream.linear.gather [hbm4b:s17+s3], $0x80, $0x38;
	[tilespmem:$0xCA00] =	vst v63  }
0x18: {  	s22 =	smul.u32 $0x19000, s20;
	s19 =	simm.s32 @!p0 $0x3  }
0x19: {  	_ =	swait.ge @!p0 [sflag:s19], $0x6400  }
0x1a: {  	s17 =	sshrl.u32 s22, $0x2;
	[sflag:s19] =	ssyncset.done @!p0 $0x0  }
0x1b: {  	s23 =	sor.u32 $0x200, s17;
	[sflag:s19] =	ssyncadd.s32 @!p0 $0xFFFF9C00  }
0x1c: {  	[tilespmem:s23], [sflag:$0x2] =	stream.indirect.gather [hbm4b:s4+s12], $0x80, s21, s12, $0xb8;
	[tilespmem:$0xCA00] =	vst v63  }
0x1d: {  	s24 =	sor.u32 $0x100, s21;
	s17 =	sadd.s32 $0x4200, s17  }
0x1e: {  	[tilespmem:s17], [sflag:$0x2] =	stream.indirect.gather [hbm4b:s4+s13], $0x80, s24, s13, $0xb8;
	[tilespmem:$0xCA00] =	vst v63  }
0x1f: {  	_ =	swait.ge [sflag:s14], $0x4000  }
0x20: {  	[sflag:s14] =	ssyncset.done $0x0  }
0x21: {  	[sflag:s14] =	ssyncadd.s32 $0xFFFFC000  }
0x22: {  	s18 =	sand.u32 $0x1, s18;
	s17 =	simm.s32 $0x2;
	_ =	swait.ge [sflag:s14], $0x2400  }
0x23: {  	s29 =	sshll.u32 s18, $0x7;
	s25 =	smin.u32 s17, $0x7F;
	[sflag:s14] =	ssyncset.done $0x0  }
0x24: {  	s26 =	sor.u32 s5, s25;
	s19 =	sshll.u32 s25, $0x4;
	[sflag:s14] =	ssyncadd.s32 $0xFFFFDC00  }
0x25: {  	[hbm4b:s9+s3] =	stream.linear.scatter [tilespmem:s23], [sflag:$0x3], $0x6400, $0x38;
	[tilespmem:$0xCA00] =	vst v63  }
0x26: {  	s21 =	sshll.u32 s26, $0x5;
	s19 =	sand.u32 $0x70, s19;
	_ =	swait.ge [sflag:s11], $0x100  }
0x27: {  	s28 =	sand.u32 $0x1FF00, s21;
	s19 =	sadd.s32 s1, s19;
	[sflag:s11] =	ssyncset.done $0x0  }
0x28: {  	s30 =	sxor.u32 $0x80, s29;
	s19 =	sadd.s32 s28, s19;
	[sflag:s11] =	ssyncadd.s32 $0xFFFFFF00  }
0x29: {  	[tilespmem:s30], [sflag:$0x1] =	stream.linear.gather [hbm4b:s19+s3], $0x80, $0x38;
	[tilespmem:$0xCA00] =	vst v63  }
0x2a: {  	s20 =	sor.u32 $0x100, s30;
	p0 =	por $0x1, $0x1;
	s19 =	sadd.s32 $0x80, s19  }
0x2b: {  	[tilespmem:s20], [sflag:$0x1] =	stream.linear.gather [hbm4b:s19+s3], $0x80, $0x38;
	[tilespmem:$0xCA00] =	vst v63  }
0x2c: {  	s18 =	smul.u32 $0x19000, s18;
	s20 =	simm.s32 @!p0 $0x3  }
0x2d: {  	_ =	swait.ge @!p0 [sflag:s20], $0x6400  }
0x2e: {  	s18 =	sshrl.u32 s18, $0x2;
	[sflag:s20] =	ssyncset.done @!p0 $0x0  }
0x2f: {  	s19 =	sor.u32 $0x200, s18;
	[sflag:s20] =	ssyncadd.s32 @!p0 $0xFFFF9C00  }
0x30: {  	[tilespmem:s19], [sflag:$0x2] =	stream.indirect.gather [hbm4b:s4+s12], $0x80, s29, s12, $0xb8;
	[tilespmem:$0xCA00] =	vst v63  }
0x31: {  	s31 =	sor.u32 $0x100, s29;
	s18 =	sadd.s32 $0x4200, s18  }
0x32: {  	[tilespmem:s18], [sflag:$0x2] =	stream.indirect.gather [hbm4b:s4+s13], $0x80, s31, s13, $0xb8;
	[tilespmem:$0xCA00] =	vst v63  }
0x33: {  	s18 =	smov.u32 s9;
	_ =	swait.ge [sflag:s14], $0x4000  }
.LBB2_2:
0x34: {  	[sflag:s14] =	ssyncset.done $0x0  }
0x35: {  	s18 =	sadd.s32 $0xC80, s18;
	s20 =	smov.u32 s17;
	s17 =	sadd.s32 $0x1, s17  }
0x36: {  	s21 =	smin.u32 s17, $0x7F;
	p0 =	sne.s32 s17, $0x80;
	[sflag:s14] =	ssyncadd.s32 $0xFFFFC000  }
0x37: {  	s22 =	sor.u32 s5, s21;
	s21 =	sshll.u32 s21, $0x4;
	_ =	swait.ge [sflag:s14], $0x2400  }
0x38: {  	s22 =	sshll.u32 s22, $0x5;
	s21 =	sand.u32 $0x70, s21;
	[sflag:s14] =	ssyncset.done $0x0  }
0x39: {  	s22 =	sand.u32 $0x1FF00, s22;
	s21 =	sadd.s32 s1, s21;
	[sflag:s14] =	ssyncadd.s32 $0xFFFFDC00  }
0x3a: {  	[hbm4b:s18+s3] =	stream.linear.scatter [tilespmem:s19], [sflag:$0x3], $0x6400, $0x38;
	[tilespmem:$0xCA00] =	vst v63  }
0x3b: {  	s19 =	sand.u32 $0x1, s20;
	s21 =	sadd.s32 s22, s21;
	_ =	swait.ge [sflag:s11], $0x100  }
0x3c: {  	s22 =	sshll.u32 s19, $0x7;
	s19 =	smul.u32 $0x19000, s19;
	[sflag:s11] =	ssyncset.done $0x0  }
0x3d: {  	s23 =	sxor.u32 $0x80, s22;
	[sflag:s11] =	ssyncadd.s32 $0xFFFFFF00  }
0x3e: {  	[tilespmem:s23], [sflag:$0x1] =	stream.linear.gather [hbm4b:s21+s3], $0x80, $0x38;
	[tilespmem:$0xCA00] =	vst v63  }
0x3f: {  	p1 =	slt.u32 s20, $0x2;
	s21 =	sadd.s32 $0x80, s21;
	s23 =	sor.u32 $0x100, s23  }
0x40: {  	[tilespmem:s23], [sflag:$0x1] =	stream.linear.gather [hbm4b:s21+s3], $0x80, $0x38;
	[tilespmem:$0xCA00] =	vst v63  }
0x41: {  	s20 =	simm.s32 @!p1 $0x3  }
0x42: {  	s21 =	sshrl.u32 s19, $0x2;
	_ =	swait.ge @!p1 [sflag:s20], $0x6400  }
0x43: {  	s19 =	sor.u32 $0x200, s21;
	[sflag:s20] =	ssyncset.done @!p1 $0x0  }
.Ltmp0:
0x44: {  	[sflag:s20] =	ssyncadd.s32 @!p1 $0xFFFF9C00;
	(pc) =	sbr.rel @p0 .LBB2_2-.Ltmp0, $4  }
0x45: {  	[tilespmem:s19], [sflag:$0x2] =	stream.indirect.gather [hbm4b:s4+s12], $0x80, s22, s12, $0xb8;
	[tilespmem:$0xCA00] =	vst v63  }
0x46: {  	s20 =	sadd.s32 $0x4200, s21;
	s21 =	sor.u32 $0x100, s22  }
0x47: {  	[tilespmem:s20], [sflag:$0x2] =	stream.indirect.gather [hbm4b:s4+s13], $0x80, s21, s13, $0xb8;
	[tilespmem:$0xCA00] =	vst v63  }
0x48: {  	_ =	swait.ge [sflag:s14], $0x4000  }
0x49: {  	[sflag:s14] =	ssyncset.done $0x0  }
0x4a: {  	[sflag:s14] =	ssyncadd.s32 $0xFFFFC000  }
0x4b: {  	_ =	swait.ge [sflag:s14], $0x2400  }
0x4c: {  	[sflag:s14] =	ssyncset.done $0x0  }
0x4d: {  	s17 =	sadd.s32 $0xC80, s18;
	[sflag:s14] =	ssyncadd.s32 $0xFFFFDC00  }
0x4e: {  	[hbm4b:s17+s3] =	stream.linear.scatter [tilespmem:s19], [sflag:$0x3], $0x6400, $0x38;
	[tilespmem:$0xCA00] =	vst v63  }
0x4f: {  	_ =	swait.ge [sflag:s15], $0x6400  }
0x50: {  	[sflag:s15] =	ssyncset.done $0x0  }
0x51: {  	s16 =	sadd.s32 $0x1, s16;
	[sflag:s15] =	ssyncadd.s32 $0xFFFF9C00  }
0x52: {  	p0 =	sne.s32 s16, s7;
	_ =	swait.ge [sflag:s15], $0x6400  }
.Ltmp1:
0x53: {  	[sflag:s15] =	ssyncset.done $0x0;
	(pc) =	sbr.rel @p0 .LBB2_1-.Ltmp1, $4  }
0x54: {  	[sflag:s15] =	ssyncadd.s32 $0xFFFF9C00  }
0x55: {  	_ =	swait.ge [sflag:s11], $0x100  }
0x56: {  	[sflag:s11] =	ssyncset.done $0x0  }
0x57: {  	[sflag:s11] =	ssyncadd.s32 $0xFFFFFF00  }
0x58: {  	_ =	sfence.sel $0x180000  }
0x59: {  	[bflag:$0x0] =	sbarrier.arrive $0xFFFF  }
0x5a: {  	p0 =	sne.s32 s2, $0x0;
	_ =	strace $0x90000047  }
0x5b: {  	s0 =	sadd.s32 @!p0 $0x100000, s0;
	[bflag:$0x2] =	sbarrier.arrive $0xFFFF  }
0x5c: {  	[sflag:s0] =	ssyncadd.tile.s32 @!p0 $0x1;
	_ =	shalt  }
.Lfunc_end2:
_tile_overlayer_lowered:
.L_overlay_start_2:
0x5d: {  	(tag) =	ssettag $0x2  }
0x5e: {  	s0 =	rddreg [dreg:$0x0];
	s2 =	stileid.u32  }
0x5f: {  	s1 =	rddreg [dreg:$0x1];
	p0 =	sne.s32 s2, $0x0  }
0x60: {  	s3 =	rddreg [dreg:$0x2];
	[bflag:$0x3] =	sbarrier.arrive $0xFFFF;
	s2 =	simm.s32 @!p0 $0x1C04  }
0x61: {  	[timem:s3], [sflag:s2] =	dma.local @!p0 [hbm:s0], s1  }
0x62: {  	s0 =	simm.s32 @!p0 $0x4  }
0x63: {  	_ =	swait.ge @!p0 [sflag:s0], s1  }
0x64: {  	s1 =	ssub.s32 @!p0 $0x0, s1;
	[sflag:s0] =	ssyncset.done @!p0 $0x0  }
0x65: {  	[sflag:s0] =	ssyncadd.s32 @!p0 s1  }
0x66: {  	[bflag:$0x3] =	sbarrier.arrive $0xFFFF  }
0x67: {  	_ =	shalt  }

</sc_bundles>
